<compile_context>
chip_gen: v7x
topology: tpu7x:2x2x1
jax: 0.10.2.dev20260603
libtpu: 0.0.44.dev20260713+nightly
codegen_flags: <defaults>
</compile_context>

<pallas_src>
import functools

import jax
import jax.numpy as jnp
from jax import lax
from jax.experimental import pallas as pl
from jax.experimental.pallas import tpu as pltpu
from jax.experimental.pallas import tpu_sc as plsc

N = 10000
E = 160000
D = 256
DH = 128
NC = 2
NS = 16
CH = 128
IB = 40
EPT = 10240
NCHUNK = EPT // CH
NBLK = NCHUNK // IB
E_PAD = EPT * NS
NR = 10240
RPT = NR // NS
CHD = 128
IBD = 8
EPW = E_PAD // (NC * NS)
NBLKD = EPW // (IBD * CHD)


def _sc_agg_body(x2, src2, dst3, agg_out,
                 src_t, dst_t, rows_a, rows_b, agg_sh, sem_a, sem_b):
    c = lax.axis_index("c")
    s = lax.axis_index("s")
    base = s * RPT

    zero16 = jnp.zeros((16,), jnp.float32)

    def zrow(i, _):
        r = i // 8
        j = i - r * 8
        rows_a[r, pl.ds(j * 16, 16)] = zero16
        return 0
    lax.fori_loop(0, CH * 8, zrow, 0)

    for t in range(RPT // CH):
        pltpu.sync_copy(rows_a, agg_sh.at[pl.ds(base + t * CH, CH)])

    plsc.subcore_barrier()

    def blk_body(blk, _):
        pltpu.sync_copy(src2.at[c, s, blk], src_t)
        pltpu.sync_copy(dst3.at[s, blk], dst_t)
        pltpu.async_copy(x2.at[src_t.at[0]], rows_a, sem_a)

        def pair(i, _):
            k0 = i * 2
            pltpu.async_copy(x2.at[src_t.at[k0 + 1]], rows_b, sem_b)
            pltpu.make_async_copy(x2.at[src_t.at[k0]], rows_a, sem_a).wait()
            pltpu.sync_copy(rows_a, agg_sh.at[dst_t.at[k0]], add=True)

            @pl.when(k0 + 2 < IB)
            def _():
                pltpu.async_copy(x2.at[src_t.at[k0 + 2]], rows_a, sem_a)

            pltpu.make_async_copy(x2.at[src_t.at[k0 + 1]], rows_b, sem_b).wait()
            pltpu.sync_copy(rows_b, agg_sh.at[dst_t.at[k0 + 1]], add=True)
            return 0
        lax.fori_loop(0, IB // 2, pair, 0)
        return 0
    lax.fori_loop(0, NBLK, blk_body, 0)

    plsc.subcore_barrier()

    pltpu.sync_copy(agg_sh.at[pl.ds(base, RPT)], agg_out.at[c, pl.ds(base, RPT)])


def _sc_deg_body(dst4, deg_out, dst_t, ones_v, deg_sh, sem_a):
    c = lax.axis_index("c")
    s = lax.axis_index("s")
    base = s * RPT

    zero16 = jnp.zeros((16,), jnp.float32)

    def zrow(i, _):
        r = i // 8
        j = i - r * 8
        ones_v[r, pl.ds(j * 16, 16)] = zero16
        return 0
    lax.fori_loop(0, CHD * 8, zrow, 0)
    for t in range(RPT // CHD):
        pltpu.sync_copy(ones_v, deg_sh.at[pl.ds(base + t * CHD, CHD)])

    one16 = jnp.ones((16,), jnp.float32)

    def orow(i, _):
        r = i // 8
        j = i - r * 8
        ones_v[r, pl.ds(j * 16, 16)] = one16
        return 0
    lax.fori_loop(0, CHD * 8, orow, 0)

    plsc.subcore_barrier()

    def blk_body(blk, _):
        pltpu.sync_copy(dst4.at[c, s, blk], dst_t)

        def chunk(k, _):
            pltpu.sync_copy(ones_v, deg_sh.at[dst_t.at[k]], add=True)
            return 0
        lax.fori_loop(0, IBD, chunk, 0)
        return 0
    lax.fori_loop(0, NBLKD, blk_body, 0)

    plsc.subcore_barrier()

    pltpu.sync_copy(deg_sh.at[pl.ds(base, RPT)], deg_out.at[c, pl.ds(base, RPT)])


def _sc_mesh():
    return plsc.VectorSubcoreMesh(core_axis_name="c", subcore_axis_name="s",
                                  num_cores=NC, num_subcores=NS)


@functools.cache
def _get_sc_agg():
    return pl.kernel(
        _sc_agg_body,
        out_type=jax.ShapeDtypeStruct((NC, NR, DH), jnp.float32),
        mesh=_sc_mesh(),
        scratch_types=[
            pltpu.VMEM((IB, CH), jnp.int32),
            pltpu.VMEM((IB, CH), jnp.int32),
            pltpu.VMEM((CH, DH), jnp.float32),
            pltpu.VMEM((CH, DH), jnp.float32),
            pltpu.VMEM_SHARED((NR, DH), jnp.float32),
            pltpu.SemaphoreType.DMA,
            pltpu.SemaphoreType.DMA,
        ],
    )


@functools.cache
def _get_sc_deg():
    return pl.kernel(
        _sc_deg_body,
        out_type=jax.ShapeDtypeStruct((NC, NR, DH), jnp.float32),
        mesh=_sc_mesh(),
        scratch_types=[
            pltpu.VMEM((IBD, CHD), jnp.int32),
            pltpu.VMEM((CHD, DH), jnp.float32),
            pltpu.VMEM_SHARED((NR, DH), jnp.float32),
            pltpu.SemaphoreType.DMA,
        ],
    )


BN = 400
GRID = N // BN


def _tc0_body(x_ref, agg_ref, deg_ref, wr_ref, wn_ref, b_ref, out_ref):
    t = jnp.dot(x_ref[...], wr_ref[...], preferred_element_type=jnp.float32)
    scale = 1.0 / jnp.maximum(deg_ref[0][:, 0:1] + deg_ref[1][:, 0:1], 1.0)
    t = t + jnp.dot(agg_ref[0] * scale, wn_ref[0:DH, :],
                    preferred_element_type=jnp.float32)
    t = t + jnp.dot(agg_ref[1] * scale, wn_ref[DH:D, :],
                    preferred_element_type=jnp.float32)
    t = jnp.maximum(t + b_ref[...], 0.0)
    out_ref[0] = t[:, :DH]
    out_ref[1] = t[:, DH:]


def _tc1_body(h_ref, agg_ref, deg_ref, wr_ref, wn_ref, b_ref, out_ref):
    t = jnp.dot(h_ref[0], wr_ref[0:DH, :], preferred_element_type=jnp.float32)
    t = t + jnp.dot(h_ref[1], wr_ref[DH:D, :], preferred_element_type=jnp.float32)
    scale = 1.0 / jnp.maximum(deg_ref[0][:, 0:1] + deg_ref[1][:, 0:1], 1.0)
    t = t + jnp.dot(agg_ref[0] * scale, wn_ref[0:DH, :],
                    preferred_element_type=jnp.float32)
    t = t + jnp.dot(agg_ref[1] * scale, wn_ref[DH:D, :],
                    preferred_element_type=jnp.float32)
    out_ref[...] = t + b_ref[...]


_W_SPEC = pl.BlockSpec((D, D), lambda i: (0, 0))
_B_SPEC = pl.BlockSpec((1, D), lambda i: (0, 0))
_AGG_SPEC = pl.BlockSpec((NC, BN, DH), lambda i: (0, i, 0))
_DEG_SPEC = pl.BlockSpec((NC, BN, DH), lambda i: (0, i, 0))

_tc0 = pl.pallas_call(
    _tc0_body,
    grid=(GRID,),
    in_specs=[
        pl.BlockSpec((BN, D), lambda i: (i, 0)),
        _AGG_SPEC, _DEG_SPEC, _W_SPEC, _W_SPEC, _B_SPEC,
    ],
    out_specs=pl.BlockSpec((NC, BN, DH), lambda i: (0, i, 0)),
    out_shape=jax.ShapeDtypeStruct((NC, N, DH), jnp.float32),
)

_tc1 = pl.pallas_call(
    _tc1_body,
    grid=(GRID,),
    in_specs=[
        pl.BlockSpec((NC, BN, DH), lambda i: (0, i, 0)),
        _AGG_SPEC, _DEG_SPEC, _W_SPEC, _W_SPEC, _B_SPEC,
    ],
    out_specs=pl.BlockSpec((BN, D), lambda i: (i, 0)),
    out_shape=jax.ShapeDtypeStruct((N, D), jnp.float32),
)


def kernel(x, edge_index, W_root0, W_neigh0, b0, W_root1, W_neigh1, b1):
    ei = edge_index.astype(jnp.int32)
    src = ei[0]
    dst = ei[1]
    srcp = jnp.concatenate([src, jnp.zeros((E_PAD - E,), jnp.int32)])
    dstp = jnp.concatenate([dst, jnp.full((E_PAD - E,), N, jnp.int32)])
    src2 = jnp.stack([srcp, srcp + N]).reshape(NC, NS, NBLK, IB, CH)
    dst3 = dstp.reshape(NS, NBLK, IB, CH)

    dst4 = dstp.reshape(NC, NS, NBLKD, IBD, CHD)

    x2 = jnp.concatenate([x[:, :DH], x[:, DH:]], axis=0)
    _sc_agg = _get_sc_agg()
    deg16 = _get_sc_deg()(dst4)
    agg0 = _sc_agg(x2, src2, dst3)
    h2 = _tc0(x, agg0, deg16, W_root0, W_neigh0, b0.reshape(1, D))
    agg1 = _sc_agg(h2.reshape(NC * N, DH), src2, dst3)
    out = _tc1(h2, agg1, deg16, W_root1, W_neigh1, b1.reshape(1, D))
    return out

# --- scband reference (transcript-rebuilt; emitter-appended) ---
"""Pipeline reference for scband-basic-gnn-43851616092565 (READ-ONLY COPY).

The authoritative reference and input builder live on the scoring server;
editing this copy changes nothing except your own understanding.
"""

import jax, jax.numpy as jnp
import numpy as np

N_NODES = 10000
N_EDGES = 160000
D_IN = 256
D_HID = 256
D_OUT = 256


def setup_inputs(seed: int = 0) -> dict:
    key = jax.random.key(seed)
    ks = jax.random.split(key, 10)
    x = jax.random.normal(ks[0], (N_NODES, D_IN), dtype=jnp.float32)
    edge_index = jax.random.randint(ks[1], (2, N_EDGES), 0, N_NODES, dtype=jnp.int64)
    s_in = 1.0 / np.sqrt(D_IN)
    s_hid = 1.0 / np.sqrt(D_HID)
    W_root0 = jax.random.normal(ks[2], (D_IN, D_HID), dtype=jnp.float32) * s_in
    W_neigh0 = jax.random.normal(ks[3], (D_IN, D_HID), dtype=jnp.float32) * s_in
    b0 = jnp.zeros((D_HID,), dtype=jnp.float32)
    W_root1 = jax.random.normal(ks[4], (D_HID, D_OUT), dtype=jnp.float32) * s_hid
    W_neigh1 = jax.random.normal(ks[5], (D_HID, D_OUT), dtype=jnp.float32) * s_hid
    b1 = jnp.zeros((D_OUT,), dtype=jnp.float32)
    return {
        "x": x,
        "edge_index": edge_index,
        "W_root0": W_root0,
        "W_neigh0": W_neigh0,
        "b0": b0,
        "W_root1": W_root1,
        "W_neigh1": W_neigh1,
        "b1": b1,
    }


def _sage_conv(x, edge_index, W_root, W_neigh, b):
    # GraphSAGE mean-aggregation conv: out = x @ W_root + mean_{j in N(i)} x_j @ W_neigh + b
    src = edge_index[0]
    dst = edge_index[1]
    msgs = jnp.take(x, src, axis=0)                      # gather: [E, d]
    agg = jax.ops.segment_sum(msgs, dst, num_segments=x.shape[0])  # scatter-add
    deg = jax.ops.segment_sum(jnp.ones((edge_index.shape[1],), dtype=x.dtype),
                              dst, num_segments=x.shape[0])
    deg = jnp.clip(deg, 1.0, None)
    agg = agg / deg[:, None]
    return x @ W_root + agg @ W_neigh + b


def reference(x, edge_index, W_root0, W_neigh0, b0, W_root1, W_neigh1, b1):
    # Layer 0: conv -> act (relu) -> dropout(p=0, eval: identity)
    h = _sage_conv(x, edge_index, W_root0, W_neigh0, b0)
    h = jax.nn.relu(h)
    # Layer 1 (last layer, jk=None): conv only, no activation
    out = _sage_conv(h, edge_index, W_root1, W_neigh1, b1)
    return out

if __name__ == "__main__":
    import jax
    _d = setup_inputs()
    print(jax.jit(kernel)(*tuple(_d.values())))

</pallas_src>

<mosaic_0001>
#map = affine_map<(d0, d1) -> (0, 0)>
#map1 = affine_map<(d0, d1) -> (0, 0, 0, 0, 0)>
#map2 = affine_map<(d0, d1) -> (0, 0, 0, 0)>
#map3 = affine_map<(d0, d1) -> (0, 0, 0)>
module attributes {stable_mosaic.version = 14 : i64} {
  func.func @_sc_agg_body(%arg0: i32, %arg1: i32, %arg2: memref<20000x128xf32, #tpu.memory_space<hbm>>, %arg3: memref<2x16x2x40x128xi32, #tpu.memory_space<hbm>>, %arg4: memref<16x2x40x128xi32, #tpu.memory_space<hbm>>, %arg5: memref<2x10240x128xf32, #tpu.memory_space<hbm>>, %arg6: memref<40x128xi32, #tpu.memory_space<vmem>>, %arg7: memref<40x128xi32, #tpu.memory_space<vmem>>, %arg8: memref<128x128xf32, #tpu.memory_space<vmem>>, %arg9: memref<128x128xf32, #tpu.memory_space<vmem>>, %arg10: memref<10240x128xf32, #tpu.memory_space<vmem_shared>>, %arg11: memref<!tpu.dma_semaphore, #tpu.memory_space<semaphore_mem>>, %arg12: memref<!tpu.dma_semaphore, #tpu.memory_space<semaphore_mem>>) attributes {dimension_semantics = [#tpu.dimension_semantics<core_parallel>, #tpu.dimension_semantics<subcore_parallel>], iteration_bounds = array<i64: 2, 16>, scalar_prefetch = 0 : i64, scratch_operands = 7 : i64, tpu.core_type = #tpu.core_type<sc_vector_subcore>, window_params = [{transform_indices = #map}, {transform_indices = #map1}, {transform_indices = #map2}, {transform_indices = #map3}]} {
    %mul3A = arith.constant 640 : i32
    %mul3A_0 = arith.muli %arg1, %mul3A : i32
    %broadcast_in_dim3A = arith.constant 0.000000e+00 : f32
    %broadcast_in_dim3A_1 = vector.broadcast %broadcast_in_dim3A : f32 to vector<16xf32>
    %scan3A = arith.constant 0 : i32
    %scan3A_2 = arith.constant 0 : i32
    %scan3A_3 = arith.constant 1024 : i32
    %scan3A_4 = arith.addi %scan3A_2, %scan3A_3 : i32
    %scan3A_5 = arith.constant 1 : i32
    %scan3A_6 = scf.for %scan3A_25 = %scan3A_2 to %scan3A_4 step %scan3A_5 iter_args(%scan3A_26 = %scan3A) -> (i32)  : i32 {
      %jit3A = arith.constant 8 : i32
      %div3A = arith.divsi %scan3A_25, %jit3A : i32
      %sign3A = arith.constant 0 : i32
      %sign3A_27 = arith.cmpi sgt, %scan3A_25, %sign3A : i32
      %sign3A_28 = arith.extui %sign3A_27 : i1 to i32
      %sign3A_29 = arith.constant 0 : i32
      %sign3A_30 = arith.cmpi slt, %scan3A_25, %sign3A_29 : i32
      %sign3A_31 = arith.extui %sign3A_30 : i1 to i32
      %sign3A_32 = arith.subi %sign3A_28, %sign3A_31 : i32
      %sign3A_33 = arith.constant 0 : i32
      %sign3A_34 = arith.cmpi sgt, %jit3A, %sign3A_33 : i32
      %sign3A_35 = arith.extui %sign3A_34 : i1 to i32
      %sign3A_36 = arith.constant 0 : i32
      %sign3A_37 = arith.cmpi slt, %jit3A, %sign3A_36 : i32
      %sign3A_38 = arith.extui %sign3A_37 : i1 to i32
      %sign3A_39 = arith.subi %sign3A_35, %sign3A_38 : i32
      %ne3A = arith.cmpi ne, %sign3A_32, %sign3A_39 : i32
      %rem3A = arith.remsi %scan3A_25, %jit3A : i32
      %ne3A_40 = arith.constant 0 : i32
      %ne3A_41 = arith.cmpi ne, %rem3A, %ne3A_40 : i32
      %and3A = arith.andi %ne3A, %ne3A_41 : i1
      %sub3A = arith.constant 1 : i32
      %sub3A_42 = arith.subi %div3A, %sub3A : i32
      %select_n3A = arith.select %and3A, %sub3A_42, %div3A : i32
      %mul3A_43 = arith.constant 8 : i32
      %mul3A_44 = arith.muli %select_n3A, %mul3A_43 : i32
      %sub3A_45 = arith.subi %scan3A_25, %mul3A_44 : i32
      %mul3A_46 = arith.constant 16 : i32
      %mul3A_47 = arith.muli %sub3A_45, %mul3A_46 : i32
      %swap3A = arith.index_cast %select_n3A : i32 to index
      %swap3A_48 = arith.index_cast %mul3A_47 : i32 to index
      %swap3A_49 = tpu.vector_load %arg8[%swap3A, %swap3A_48] {strides = array<i32>} : memref<128x128xf32, #tpu.memory_space<vmem>>, vector<1x16xf32>,
      %swap3A_50 = vector.shape_cast %swap3A_49 : vector<1x16xf32> to vector<16xf32>
      %swap3A_51 = vector.shape_cast %broadcast_in_dim3A_1 : vector<16xf32> to vector<1x16xf32>
      tpu.vector_store %arg8[%swap3A, %swap3A_48], %swap3A_51 {strides = array<i32>} : memref<128x128xf32, #tpu.memory_space<vmem>>, vector<1x16xf32>,
      %scan3A_52 = arith.constant 0 : i32
      scf.yield %scan3A_52 : i32
    }
    %scan3A_7 = arith.constant 1024 : i32
    %add3A = arith.constant 0 : i32
    %add3A_8 = arith.addi %mul3A_0, %add3A : i32
    "tpu.region"() ({
      %run_scoped3A = tpu.sem_alloc : memref<!tpu.dma_semaphore, #tpu.memory_space<semaphore_mem>>
      %dma_start3A = arith.constant 0 : i32
      %dma_start3A_25 = tpu.memref_slice %arg10[%add3A_8, %dma_start3A] : memref<10240x128xf32, #tpu.memory_space<vmem_shared>> -> memref<128x128xf32, #tpu.memory_space<vmem_shared>>
      %dma_start3A_26 = arith.constant 0 : i32
      %dma_start3A_27 = tpu.memref_slice %arg10[%add3A_8, %dma_start3A_26] : memref<10240x128xf32, #tpu.memory_space<vmem_shared>> -> memref<128x128xf32, #tpu.memory_space<vmem_shared>>
      tpu.enqueue_dma source(%arg8 : memref<128x128xf32, #tpu.memory_space<vmem>>) target(%dma_start3A_27 : memref<128x128xf32, #tpu.memory_space<vmem_shared>>) target_semaphore(%run_scoped3A : memref<!tpu.dma_semaphore, #tpu.memory_space<semaphore_mem>>)
      %dma_wait3A = arith.constant 0 : i32
      %dma_wait3A_28 = tpu.memref_slice %arg10[%add3A_8, %dma_wait3A] : memref<10240x128xf32, #tpu.memory_space<vmem_shared>> -> memref<128x128xf32, #tpu.memory_space<vmem_shared>>
      %dma_wait3A_29 = arith.constant 0 : i32
      %dma_wait3A_30 = tpu.memref_slice %arg10[%add3A_8, %dma_wait3A_29] : memref<10240x128xf32, #tpu.memory_space<vmem_shared>> -> memref<128x128xf32, #tpu.memory_space<vmem_shared>>
      tpu.wait_dma2 semaphore(%run_scoped3A : memref<!tpu.dma_semaphore, #tpu.memory_space<semaphore_mem>>) src(%arg8 : memref<128x128xf32, #tpu.memory_space<vmem>>) dst(%dma_wait3A_30 : memref<128x128xf32, #tpu.memory_space<vmem_shared>>)
      tpu.yield
    }) : () -> ()
    %add3A_9 = arith.constant 128 : i32
    %add3A_10 = arith.addi %mul3A_0, %add3A_9 : i32
    "tpu.region"() ({
      %run_scoped3A = tpu.sem_alloc : memref<!tpu.dma_semaphore, #tpu.memory_space<semaphore_mem>>
      %dma_start3A = arith.constant 0 : i32
      %dma_start3A_25 = tpu.memref_slice %arg10[%add3A_10, %dma_start3A] : memref<10240x128xf32, #tpu.memory_space<vmem_shared>> -> memref<128x128xf32, #tpu.memory_space<vmem_shared>>
      %dma_start3A_26 = arith.constant 0 : i32
      %dma_start3A_27 = tpu.memref_slice %arg10[%add3A_10, %dma_start3A_26] : memref<10240x128xf32, #tpu.memory_space<vmem_shared>> -> memref<128x128xf32, #tpu.memory_space<vmem_shared>>
      tpu.enqueue_dma source(%arg8 : memref<128x128xf32, #tpu.memory_space<vmem>>) target(%dma_start3A_27 : memref<128x128xf32, #tpu.memory_space<vmem_shared>>) target_semaphore(%run_scoped3A : memref<!tpu.dma_semaphore, #tpu.memory_space<semaphore_mem>>)
      %dma_wait3A = arith.constant 0 : i32
      %dma_wait3A_28 = tpu.memref_slice %arg10[%add3A_10, %dma_wait3A] : memref<10240x128xf32, #tpu.memory_space<vmem_shared>> -> memref<128x128xf32, #tpu.memory_space<vmem_shared>>
      %dma_wait3A_29 = arith.constant 0 : i32
      %dma_wait3A_30 = tpu.memref_slice %arg10[%add3A_10, %dma_wait3A_29] : memref<10240x128xf32, #tpu.memory_space<vmem_shared>> -> memref<128x128xf32, #tpu.memory_space<vmem_shared>>
      tpu.wait_dma2 semaphore(%run_scoped3A : memref<!tpu.dma_semaphore, #tpu.memory_space<semaphore_mem>>) src(%arg8 : memref<128x128xf32, #tpu.memory_space<vmem>>) dst(%dma_wait3A_30 : memref<128x128xf32, #tpu.memory_space<vmem_shared>>)
      tpu.yield
    }) : () -> ()
    %add3A_11 = arith.constant 256 : i32
    %add3A_12 = arith.addi %mul3A_0, %add3A_11 : i32
    "tpu.region"() ({
      %run_scoped3A = tpu.sem_alloc : memref<!tpu.dma_semaphore, #tpu.memory_space<semaphore_mem>>
      %dma_start3A = arith.constant 0 : i32
      %dma_start3A_25 = tpu.memref_slice %arg10[%add3A_12, %dma_start3A] : memref<10240x128xf32, #tpu.memory_space<vmem_shared>> -> memref<128x128xf32, #tpu.memory_space<vmem_shared>>
      %dma_start3A_26 = arith.constant 0 : i32
      %dma_start3A_27 = tpu.memref_slice %arg10[%add3A_12, %dma_start3A_26] : memref<10240x128xf32, #tpu.memory_space<vmem_shared>> -> memref<128x128xf32, #tpu.memory_space<vmem_shared>>
      tpu.enqueue_dma source(%arg8 : memref<128x128xf32, #tpu.memory_space<vmem>>) target(%dma_start3A_27 : memref<128x128xf32, #tpu.memory_space<vmem_shared>>) target_semaphore(%run_scoped3A : memref<!tpu.dma_semaphore, #tpu.memory_space<semaphore_mem>>)
      %dma_wait3A = arith.constant 0 : i32
      %dma_wait3A_28 = tpu.memref_slice %arg10[%add3A_12, %dma_wait3A] : memref<10240x128xf32, #tpu.memory_space<vmem_shared>> -> memref<128x128xf32, #tpu.memory_space<vmem_shared>>
      %dma_wait3A_29 = arith.constant 0 : i32
      %dma_wait3A_30 = tpu.memref_slice %arg10[%add3A_12, %dma_wait3A_29] : memref<10240x128xf32, #tpu.memory_space<vmem_shared>> -> memref<128x128xf32, #tpu.memory_space<vmem_shared>>
      tpu.wait_dma2 semaphore(%run_scoped3A : memref<!tpu.dma_semaphore, #tpu.memory_space<semaphore_mem>>) src(%arg8 : memref<128x128xf32, #tpu.memory_space<vmem>>) dst(%dma_wait3A_30 : memref<128x128xf32, #tpu.memory_space<vmem_shared>>)
      tpu.yield
    }) : () -> ()
    %add3A_13 = arith.constant 384 : i32
    %add3A_14 = arith.addi %mul3A_0, %add3A_13 : i32
    "tpu.region"() ({
      %run_scoped3A = tpu.sem_alloc : memref<!tpu.dma_semaphore, #tpu.memory_space<semaphore_mem>>
      %dma_start3A = arith.constant 0 : i32
      %dma_start3A_25 = tpu.memref_slice %arg10[%add3A_14, %dma_start3A] : memref<10240x128xf32, #tpu.memory_space<vmem_shared>> -> memref<128x128xf32, #tpu.memory_space<vmem_shared>>
      %dma_start3A_26 = arith.constant 0 : i32
      %dma_start3A_27 = tpu.memref_slice %arg10[%add3A_14, %dma_start3A_26] : memref<10240x128xf32, #tpu.memory_space<vmem_shared>> -> memref<128x128xf32, #tpu.memory_space<vmem_shared>>
      tpu.enqueue_dma source(%arg8 : memref<128x128xf32, #tpu.memory_space<vmem>>) target(%dma_start3A_27 : memref<128x128xf32, #tpu.memory_space<vmem_shared>>) target_semaphore(%run_scoped3A : memref<!tpu.dma_semaphore, #tpu.memory_space<semaphore_mem>>)
      %dma_wait3A = arith.constant 0 : i32
      %dma_wait3A_28 = tpu.memref_slice %arg10[%add3A_14, %dma_wait3A] : memref<10240x128xf32, #tpu.memory_space<vmem_shared>> -> memref<128x128xf32, #tpu.memory_space<vmem_shared>>
      %dma_wait3A_29 = arith.constant 0 : i32
      %dma_wait3A_30 = tpu.memref_slice %arg10[%add3A_14, %dma_wait3A_29] : memref<10240x128xf32, #tpu.memory_space<vmem_shared>> -> memref<128x128xf32, #tpu.memory_space<vmem_shared>>
      tpu.wait_dma2 semaphore(%run_scoped3A : memref<!tpu.dma_semaphore, #tpu.memory_space<semaphore_mem>>) src(%arg8 : memref<128x128xf32, #tpu.memory_space<vmem>>) dst(%dma_wait3A_30 : memref<128x128xf32, #tpu.memory_space<vmem_shared>>)
      tpu.yield
    }) : () -> ()
    %add3A_15 = arith.constant 512 : i32
    %add3A_16 = arith.addi %mul3A_0, %add3A_15 : i32
    "tpu.region"() ({
      %run_scoped3A = tpu.sem_alloc : memref<!tpu.dma_semaphore, #tpu.memory_space<semaphore_mem>>
      %dma_start3A = arith.constant 0 : i32
      %dma_start3A_25 = tpu.memref_slice %arg10[%add3A_16, %dma_start3A] : memref<10240x128xf32, #tpu.memory_space<vmem_shared>> -> memref<128x128xf32, #tpu.memory_space<vmem_shared>>
      %dma_start3A_26 = arith.constant 0 : i32
      %dma_start3A_27 = tpu.memref_slice %arg10[%add3A_16, %dma_start3A_26] : memref<10240x128xf32, #tpu.memory_space<vmem_shared>> -> memref<128x128xf32, #tpu.memory_space<vmem_shared>>
      tpu.enqueue_dma source(%arg8 : memref<128x128xf32, #tpu.memory_space<vmem>>) target(%dma_start3A_27 : memref<128x128xf32, #tpu.memory_space<vmem_shared>>) target_semaphore(%run_scoped3A : memref<!tpu.dma_semaphore, #tpu.memory_space<semaphore_mem>>)
      %dma_wait3A = arith.constant 0 : i32
      %dma_wait3A_28 = tpu.memref_slice %arg10[%add3A_16, %dma_wait3A] : memref<10240x128xf32, #tpu.memory_space<vmem_shared>> -> memref<128x128xf32, #tpu.memory_space<vmem_shared>>
      %dma_wait3A_29 = arith.constant 0 : i32
      %dma_wait3A_30 = tpu.memref_slice %arg10[%add3A_16, %dma_wait3A_29] : memref<10240x128xf32, #tpu.memory_space<vmem_shared>> -> memref<128x128xf32, #tpu.memory_space<vmem_shared>>
      tpu.wait_dma2 semaphore(%run_scoped3A : memref<!tpu.dma_semaphore, #tpu.memory_space<semaphore_mem>>) src(%arg8 : memref<128x128xf32, #tpu.memory_space<vmem>>) dst(%dma_wait3A_30 : memref<128x128xf32, #tpu.memory_space<vmem_shared>>)
      tpu.yield
    }) : () -> ()
    %barrier3A = arith.constant 0 : index
    tpu.barrier barrier_id(%barrier3A)
    %scan3A_17 = arith.constant 0 : i32
    %scan3A_18 = arith.constant 0 : i32
    %scan3A_19 = arith.constant 2 : i32
    %scan3A_20 = arith.addi %scan3A_18, %scan3A_19 : i32
    %scan3A_21 = arith.constant 1 : i32
    %scan3A_22 = scf.for %scan3A_25 = %scan3A_18 to %scan3A_20 step %scan3A_21 iter_args(%scan3A_26 = %scan3A_17) -> (i32)  : i32 {
      "tpu.region"() ({
        %run_scoped3A = tpu.sem_alloc : memref<!tpu.dma_semaphore, #tpu.memory_space<semaphore_mem>>
        %dma_start3A_41 = arith.constant 0 : i32
        %dma_start3A_42 = arith.constant 0 : i32
        %dma_start3A_43 = tpu.memref_slice %arg3[%arg0, %arg1, %scan3A_25, %dma_start3A_41, %dma_start3A_42] : memref<2x16x2x40x128xi32, #tpu.memory_space<hbm>> -> memref<1x1x1x40x128xi32, #tpu.memory_space<hbm>>
        %dma_start3A_44 = tpu.memref_squeeze %dma_start3A_43 : memref<1x1x1x40x128xi32, #tpu.memory_space<hbm>> -> memref<40x128xi32, #tpu.memory_space<hbm>>
        %dma_start3A_45 = arith.constant 0 : i32
        %dma_start3A_46 = arith.constant 0 : i32
        %dma_start3A_47 = tpu.memref_slice %arg3[%arg0, %arg1, %scan3A_25, %dma_start3A_45, %dma_start3A_46] : memref<2x16x2x40x128xi32, #tpu.memory_space<hbm>> -> memref<1x1x1x40x128xi32, #tpu.memory_space<hbm>>
        %dma_start3A_48 = tpu.memref_squeeze %dma_start3A_47 : memref<1x1x1x40x128xi32, #tpu.memory_space<hbm>> -> memref<40x128xi32, #tpu.memory_space<hbm>>
        tpu.enqueue_dma source(%dma_start3A_48 : memref<40x128xi32, #tpu.memory_space<hbm>>) target(%arg6 : memref<40x128xi32, #tpu.memory_space<vmem>>) target_semaphore(%run_scoped3A : memref<!tpu.dma_semaphore, #tpu.memory_space<semaphore_mem>>)
        %dma_wait3A = arith.constant 0 : i32
        %dma_wait3A_49 = arith.constant 0 : i32
        %dma_wait3A_50 = tpu.memref_slice %arg3[%arg0, %arg1, %scan3A_25, %dma_wait3A, %dma_wait3A_49] : memref<2x16x2x40x128xi32, #tpu.memory_space<hbm>> -> memref<1x1x1x40x128xi32, #tpu.memory_space<hbm>>
        %dma_wait3A_51 = tpu.memref_squeeze %dma_wait3A_50 : memref<1x1x1x40x128xi32, #tpu.memory_space<hbm>> -> memref<40x128xi32, #tpu.memory_space<hbm>>
        %dma_wait3A_52 = arith.constant 0 : i32
        %dma_wait3A_53 = arith.constant 0 : i32
        %dma_wait3A_54 = tpu.memref_slice %arg3[%arg0, %arg1, %scan3A_25, %dma_wait3A_52, %dma_wait3A_53] : memref<2x16x2x40x128xi32, #tpu.memory_space<hbm>> -> memref<1x1x1x40x128xi32, #tpu.memory_space<hbm>>
        %dma_wait3A_55 = tpu.memref_squeeze %dma_wait3A_54 : memref<1x1x1x40x128xi32, #tpu.memory_space<hbm>> -> memref<40x128xi32, #tpu.memory_space<hbm>>
        tpu.wait_dma2 semaphore(%run_scoped3A : memref<!tpu.dma_semaphore, #tpu.memory_space<semaphore_mem>>) src(%dma_wait3A_55 : memref<40x128xi32, #tpu.memory_space<hbm>>) dst(%arg6 : memref<40x128xi32, #tpu.memory_space<vmem>>)
        tpu.yield
      }) : () -> ()
      "tpu.region"() ({
        %run_scoped3A = tpu.sem_alloc : memref<!tpu.dma_semaphore, #tpu.memory_space<semaphore_mem>>
        %dma_start3A_41 = arith.constant 0 : i32
        %dma_start3A_42 = arith.constant 0 : i32
        %dma_start3A_43 = tpu.memref_slice %arg4[%arg1, %scan3A_25, %dma_start3A_41, %dma_start3A_42] : memref<16x2x40x128xi32, #tpu.memory_space<hbm>> -> memref<1x1x40x128xi32, #tpu.memory_space<hbm>>
        %dma_start3A_44 = tpu.memref_squeeze %dma_start3A_43 : memref<1x1x40x128xi32, #tpu.memory_space<hbm>> -> memref<40x128xi32, #tpu.memory_space<hbm>>
        %dma_start3A_45 = arith.constant 0 : i32
        %dma_start3A_46 = arith.constant 0 : i32
        %dma_start3A_47 = tpu.memref_slice %arg4[%arg1, %scan3A_25, %dma_start3A_45, %dma_start3A_46] : memref<16x2x40x128xi32, #tpu.memory_space<hbm>> -> memref<1x1x40x128xi32, #tpu.memory_space<hbm>>
        %dma_start3A_48 = tpu.memref_squeeze %dma_start3A_47 : memref<1x1x40x128xi32, #tpu.memory_space<hbm>> -> memref<40x128xi32, #tpu.memory_space<hbm>>
        tpu.enqueue_dma source(%dma_start3A_48 : memref<40x128xi32, #tpu.memory_space<hbm>>) target(%arg7 : memref<40x128xi32, #tpu.memory_space<vmem>>) target_semaphore(%run_scoped3A : memref<!tpu.dma_semaphore, #tpu.memory_space<semaphore_mem>>)
        %dma_wait3A = arith.constant 0 : i32
        %dma_wait3A_49 = arith.constant 0 : i32
        %dma_wait3A_50 = tpu.memref_slice %arg4[%arg1, %scan3A_25, %dma_wait3A, %dma_wait3A_49] : memref<16x2x40x128xi32, #tpu.memory_space<hbm>> -> memref<1x1x40x128xi32, #tpu.memory_space<hbm>>
        %dma_wait3A_51 = tpu.memref_squeeze %dma_wait3A_50 : memref<1x1x40x128xi32, #tpu.memory_space<hbm>> -> memref<40x128xi32, #tpu.memory_space<hbm>>
        %dma_wait3A_52 = arith.constant 0 : i32
        %dma_wait3A_53 = arith.constant 0 : i32
        %dma_wait3A_54 = tpu.memref_slice %arg4[%arg1, %scan3A_25, %dma_wait3A_52, %dma_wait3A_53] : memref<16x2x40x128xi32, #tpu.memory_space<hbm>> -> memref<1x1x40x128xi32, #tpu.memory_space<hbm>>
        %dma_wait3A_55 = tpu.memref_squeeze %dma_wait3A_54 : memref<1x1x40x128xi32, #tpu.memory_space<hbm>> -> memref<40x128xi32, #tpu.memory_space<hbm>>
        tpu.wait_dma2 semaphore(%run_scoped3A : memref<!tpu.dma_semaphore, #tpu.memory_space<semaphore_mem>>) src(%dma_wait3A_55 : memref<40x128xi32, #tpu.memory_space<hbm>>) dst(%arg7 : memref<40x128xi32, #tpu.memory_space<vmem>>)
        tpu.yield
      }) : () -> ()
      %dma_start3A = arith.constant 0 : i32
      %dma_start3A_27 = arith.constant 0 : i32
      %dma_start3A_28 = tpu.memref_slice %arg6[%dma_start3A, %dma_start3A_27] : memref<40x128xi32, #tpu.memory_space<vmem>> -> memref<1x128xi32, #tpu.memory_space<vmem>>
      %dma_start3A_29 = tpu.memref_squeeze %dma_start3A_28 : memref<1x128xi32, #tpu.memory_space<vmem>> -> memref<128xi32, #tpu.memory_space<vmem>>
      %dma_start3A_30 = arith.constant 0 : i32
      %dma_start3A_31 = arith.constant 0 : i32
      %dma_start3A_32 = tpu.memref_slice %arg2[%dma_start3A_30, %dma_start3A_31] : memref<20000x128xf32, #tpu.memory_space<hbm>> -> memref<20000x128xf32, #tpu.memory_space<hbm>>
      tpu.enqueue_indirect_dma source(%dma_start3A_32 : memref<20000x128xf32, #tpu.memory_space<hbm>>) target(%arg8 : memref<128x128xf32, #tpu.memory_space<vmem>>) offsets(%dma_start3A_29 : memref<128xi32, #tpu.memory_space<vmem>>) semaphore(%arg11 : memref<!tpu.dma_semaphore, #tpu.memory_space<semaphore_mem>>)
      %scan3A_33 = arith.constant 0 : i32
      %scan3A_34 = arith.constant 0 : i32
      %scan3A_35 = arith.constant 20 : i32
      %scan3A_36 = arith.addi %scan3A_34, %scan3A_35 : i32
      %scan3A_37 = arith.constant 1 : i32
      %scan3A_38 = scf.for %scan3A_41 = %scan3A_34 to %scan3A_36 step %scan3A_37 iter_args(%scan3A_42 = %scan3A_33) -> (i32)  : i32 {
        %mul3A_43 = arith.constant 2 : i32
        %mul3A_44 = arith.muli %scan3A_41, %mul3A_43 : i32
        %add3A_45 = arith.constant 1 : i32
        %add3A_46 = arith.addi %mul3A_44, %add3A_45 : i32
        %dma_start3A_47 = arith.constant 0 : i32
        %dma_start3A_48 = tpu.memref_slice %arg6[%add3A_46, %dma_start3A_47] : memref<40x128xi32, #tpu.memory_space<vmem>> -> memref<1x128xi32, #tpu.memory_space<vmem>>
        %dma_start3A_49 = tpu.memref_squeeze %dma_start3A_48 : memref<1x128xi32, #tpu.memory_space<vmem>> -> memref<128xi32, #tpu.memory_space<vmem>>
        %dma_start3A_50 = arith.constant 0 : i32
        %dma_start3A_51 = arith.constant 0 : i32
        %dma_start3A_52 = tpu.memref_slice %arg2[%dma_start3A_50, %dma_start3A_51] : memref<20000x128xf32, #tpu.memory_space<hbm>> -> memref<20000x128xf32, #tpu.memory_space<hbm>>
        tpu.enqueue_indirect_dma source(%dma_start3A_52 : memref<20000x128xf32, #tpu.memory_space<hbm>>) target(%arg9 : memref<128x128xf32, #tpu.memory_space<vmem>>) offsets(%dma_start3A_49 : memref<128xi32, #tpu.memory_space<vmem>>) semaphore(%arg12 : memref<!tpu.dma_semaphore, #tpu.memory_space<semaphore_mem>>)
        %dma_wait3A = arith.constant 0 : i32
        %dma_wait3A_53 = tpu.memref_slice %arg6[%mul3A_44, %dma_wait3A] : memref<40x128xi32, #tpu.memory_space<vmem>> -> memref<1x128xi32, #tpu.memory_space<vmem>>
        %dma_wait3A_54 = tpu.memref_squeeze %dma_wait3A_53 : memref<1x128xi32, #tpu.memory_space<vmem>> -> memref<128xi32, #tpu.memory_space<vmem>>
        %dma_wait3A_55 = arith.constant 0 : i32
        %dma_wait3A_56 = arith.constant 0 : i32
        %dma_wait3A_57 = tpu.memref_slice %arg2[%dma_wait3A_55, %dma_wait3A_56] : memref<20000x128xf32, #tpu.memory_space<hbm>> -> memref<20000x128xf32, #tpu.memory_space<hbm>>
        tpu.wait_indirect_dma semaphore(%arg11 : memref<!tpu.dma_semaphore, #tpu.memory_space<semaphore_mem>>) src(%dma_wait3A_57 : memref<20000x128xf32, #tpu.memory_space<hbm>>) dst(%arg8 : memref<128x128xf32, #tpu.memory_space<vmem>>)
        "tpu.region"() ({
          %run_scoped3A = tpu.sem_alloc : memref<!tpu.dma_semaphore, #tpu.memory_space<semaphore_mem>>
          %dma_start3A_73 = arith.constant 0 : i32
          %dma_start3A_74 = tpu.memref_slice %arg7[%mul3A_44, %dma_start3A_73] : memref<40x128xi32, #tpu.memory_space<vmem>> -> memref<1x128xi32, #tpu.memory_space<vmem>>
          %dma_start3A_75 = tpu.memref_squeeze %dma_start3A_74 : memref<1x128xi32, #tpu.memory_space<vmem>> -> memref<128xi32, #tpu.memory_space<vmem>>
          %dma_start3A_76 = arith.constant 0 : i32
          %dma_start3A_77 = arith.constant 0 : i32
          %dma_start3A_78 = tpu.memref_slice %arg10[%dma_start3A_76, %dma_start3A_77] : memref<10240x128xf32, #tpu.memory_space<vmem_shared>> -> memref<10240x128xf32, #tpu.memory_space<vmem_shared>>
          tpu.enqueue_indirect_dma source(%arg8 : memref<128x128xf32, #tpu.memory_space<vmem>>) target(%dma_start3A_78 : memref<10240x128xf32, #tpu.memory_space<vmem_shared>>) offsets(%dma_start3A_75 : memref<128xi32, #tpu.memory_space<vmem>>) semaphore(%run_scoped3A : memref<!tpu.dma_semaphore, #tpu.memory_space<semaphore_mem>>) {add = true}
          %dma_wait3A_79 = arith.constant 0 : i32
          %dma_wait3A_80 = tpu.memref_slice %arg7[%mul3A_44, %dma_wait3A_79] : memref<40x128xi32, #tpu.memory_space<vmem>> -> memref<1x128xi32, #tpu.memory_space<vmem>>
          %dma_wait3A_81 = tpu.memref_squeeze %dma_wait3A_80 : memref<1x128xi32, #tpu.memory_space<vmem>> -> memref<128xi32, #tpu.memory_space<vmem>>
          %dma_wait3A_82 = arith.constant 0 : i32
          %dma_wait3A_83 = arith.constant 0 : i32
          %dma_wait3A_84 = tpu.memref_slice %arg10[%dma_wait3A_82, %dma_wait3A_83] : memref<10240x128xf32, #tpu.memory_space<vmem_shared>> -> memref<10240x128xf32, #tpu.memory_space<vmem_shared>>
          tpu.wait_indirect_dma semaphore(%run_scoped3A : memref<!tpu.dma_semaphore, #tpu.memory_space<semaphore_mem>>) src(%arg8 : memref<128x128xf32, #tpu.memory_space<vmem>>) dst(%dma_wait3A_84 : memref<10240x128xf32, #tpu.memory_space<vmem_shared>>)
          tpu.yield
        }) : () -> ()
        %add3A_58 = arith.constant 2 : i32
        %add3A_59 = arith.addi %mul3A_44, %add3A_58 : i32
        %lt3A = arith.constant 40 : i32
        %lt3A_60 = arith.cmpi slt, %add3A_59, %lt3A : i32
        %convert_element_type3A = arith.extui %lt3A_60 : i1 to i32
        %cond3A = arith.constant 0 : i32
        %cond3A_61 = arith.cmpi ne, %convert_element_type3A, %cond3A : i32
        scf.if %cond3A_61 {
          %add3A_73 = arith.constant 2 : i32
          %add3A_74 = arith.addi %mul3A_44, %add3A_73 : i32
          %dma_start3A_75 = arith.constant 0 : i32
          %dma_start3A_76 = tpu.memref_slice %arg6[%add3A_74, %dma_start3A_75] : memref<40x128xi32, #tpu.memory_space<vmem>> -> memref<1x128xi32, #tpu.memory_space<vmem>>
          %dma_start3A_77 = tpu.memref_squeeze %dma_start3A_76 : memref<1x128xi32, #tpu.memory_space<vmem>> -> memref<128xi32, #tpu.memory_space<vmem>>
          %dma_start3A_78 = arith.constant 0 : i32
          %dma_start3A_79 = arith.constant 0 : i32
          %dma_start3A_80 = tpu.memref_slice %arg2[%dma_start3A_78, %dma_start3A_79] : memref<20000x128xf32, #tpu.memory_space<hbm>> -> memref<20000x128xf32, #tpu.memory_space<hbm>>
          tpu.enqueue_indirect_dma source(%dma_start3A_80 : memref<20000x128xf32, #tpu.memory_space<hbm>>) target(%arg8 : memref<128x128xf32, #tpu.memory_space<vmem>>) offsets(%dma_start3A_77 : memref<128xi32, #tpu.memory_space<vmem>>) semaphore(%arg11 : memref<!tpu.dma_semaphore, #tpu.memory_space<semaphore_mem>>)
        } else {
        }
        %add3A_62 = arith.constant 1 : i32
        %add3A_63 = arith.addi %mul3A_44, %add3A_62 : i32
        %dma_wait3A_64 = arith.constant 0 : i32
        %dma_wait3A_65 = tpu.memref_slice %arg6[%add3A_63, %dma_wait3A_64] : memref<40x128xi32, #tpu.memory_space<vmem>> -> memref<1x128xi32, #tpu.memory_space<vmem>>
        %dma_wait3A_66 = tpu.memref_squeeze %dma_wait3A_65 : memref<1x128xi32, #tpu.memory_space<vmem>> -> memref<128xi32, #tpu.memory_space<vmem>>
        %dma_wait3A_67 = arith.constant 0 : i32
        %dma_wait3A_68 = arith.constant 0 : i32
        %dma_wait3A_69 = tpu.memref_slice %arg2[%dma_wait3A_67, %dma_wait3A_68] : memref<20000x128xf32, #tpu.memory_space<hbm>> -> memref<20000x128xf32, #tpu.memory_space<hbm>>
        tpu.wait_indirect_dma semaphore(%arg12 : memref<!tpu.dma_semaphore, #tpu.memory_space<semaphore_mem>>) src(%dma_wait3A_69 : memref<20000x128xf32, #tpu.memory_space<hbm>>) dst(%arg9 : memref<128x128xf32, #tpu.memory_space<vmem>>)
        %add3A_70 = arith.constant 1 : i32
        %add3A_71 = arith.addi %mul3A_44, %add3A_70 : i32
        "tpu.region"() ({
          %run_scoped3A = tpu.sem_alloc : memref<!tpu.dma_semaphore, #tpu.memory_space<semaphore_mem>>
          %dma_start3A_73 = arith.constant 0 : i32
          %dma_start3A_74 = tpu.memref_slice %arg7[%add3A_71, %dma_start3A_73] : memref<40x128xi32, #tpu.memory_space<vmem>> -> memref<1x128xi32, #tpu.memory_space<vmem>>
          %dma_start3A_75 = tpu.memref_squeeze %dma_start3A_74 : memref<1x128xi32, #tpu.memory_space<vmem>> -> memref<128xi32, #tpu.memory_space<vmem>>
          %dma_start3A_76 = arith.constant 0 : i32
          %dma_start3A_77 = arith.constant 0 : i32
          %dma_start3A_78 = tpu.memref_slice %arg10[%dma_start3A_76, %dma_start3A_77] : memref<10240x128xf32, #tpu.memory_space<vmem_shared>> -> memref<10240x128xf32, #tpu.memory_space<vmem_shared>>
          tpu.enqueue_indirect_dma source(%arg9 : memref<128x128xf32, #tpu.memory_space<vmem>>) target(%dma_start3A_78 : memref<10240x128xf32, #tpu.memory_space<vmem_shared>>) offsets(%dma_start3A_75 : memref<128xi32, #tpu.memory_space<vmem>>) semaphore(%run_scoped3A : memref<!tpu.dma_semaphore, #tpu.memory_space<semaphore_mem>>) {add = true}
          %dma_wait3A_79 = arith.constant 0 : i32
          %dma_wait3A_80 = tpu.memref_slice %arg7[%add3A_71, %dma_wait3A_79] : memref<40x128xi32, #tpu.memory_space<vmem>> -> memref<1x128xi32, #tpu.memory_space<vmem>>
          %dma_wait3A_81 = tpu.memref_squeeze %dma_wait3A_80 : memref<1x128xi32, #tpu.memory_space<vmem>> -> memref<128xi32, #tpu.memory_space<vmem>>
          %dma_wait3A_82 = arith.constant 0 : i32
          %dma_wait3A_83 = arith.constant 0 : i32
          %dma_wait3A_84 = tpu.memref_slice %arg10[%dma_wait3A_82, %dma_wait3A_83] : memref<10240x128xf32, #tpu.memory_space<vmem_shared>> -> memref<10240x128xf32, #tpu.memory_space<vmem_shared>>
          tpu.wait_indirect_dma semaphore(%run_scoped3A : memref<!tpu.dma_semaphore, #tpu.memory_space<semaphore_mem>>) src(%arg9 : memref<128x128xf32, #tpu.memory_space<vmem>>) dst(%dma_wait3A_84 : memref<10240x128xf32, #tpu.memory_space<vmem_shared>>)
          tpu.yield
        }) : () -> ()
        %scan3A_72 = arith.constant 0 : i32
        scf.yield %scan3A_72 : i32
      }
      %scan3A_39 = arith.constant 20 : i32
      %scan3A_40 = arith.constant 0 : i32
      scf.yield %scan3A_40 : i32
    }
    %scan3A_23 = arith.constant 2 : i32
    %barrier3A_24 = arith.constant 0 : index
    tpu.barrier barrier_id(%barrier3A_24)
    "tpu.region"() ({
      %run_scoped3A = tpu.sem_alloc : memref<!tpu.dma_semaphore, #tpu.memory_space<semaphore_mem>>
      %dma_start3A = arith.constant 0 : i32
      %dma_start3A_25 = tpu.memref_slice %arg5[%arg0, %mul3A_0, %dma_start3A] : memref<2x10240x128xf32, #tpu.memory_space<hbm>> -> memref<1x640x128xf32, #tpu.memory_space<hbm>>
      %dma_start3A_26 = tpu.memref_squeeze %dma_start3A_25 : memref<1x640x128xf32, #tpu.memory_space<hbm>> -> memref<640x128xf32, #tpu.memory_space<hbm>>
      %dma_start3A_27 = arith.constant 0 : i32
      %dma_start3A_28 = tpu.memref_slice %arg10[%mul3A_0, %dma_start3A_27] : memref<10240x128xf32, #tpu.memory_space<vmem_shared>> -> memref<640x128xf32, #tpu.memory_space<vmem_shared>>
      tpu.enqueue_dma source(%dma_start3A_28 : memref<640x128xf32, #tpu.memory_space<vmem_shared>>) target(%dma_start3A_26 : memref<640x128xf32, #tpu.memory_space<hbm>>) target_semaphore(%run_scoped3A : memref<!tpu.dma_semaphore, #tpu.memory_space<semaphore_mem>>)
      %dma_wait3A = arith.constant 0 : i32
      %dma_wait3A_29 = tpu.memref_slice %arg5[%arg0, %mul3A_0, %dma_wait3A] : memref<2x10240x128xf32, #tpu.memory_space<hbm>> -> memref<1x640x128xf32, #tpu.memory_space<hbm>>
      %dma_wait3A_30 = tpu.memref_squeeze %dma_wait3A_29 : memref<1x640x128xf32, #tpu.memory_space<hbm>> -> memref<640x128xf32, #tpu.memory_space<hbm>>
      %dma_wait3A_31 = arith.constant 0 : i32
      %dma_wait3A_32 = tpu.memref_slice %arg10[%mul3A_0, %dma_wait3A_31] : memref<10240x128xf32, #tpu.memory_space<vmem_shared>> -> memref<640x128xf32, #tpu.memory_space<vmem_shared>>
      tpu.wait_dma2 semaphore(%run_scoped3A : memref<!tpu.dma_semaphore, #tpu.memory_space<semaphore_mem>>) src(%dma_wait3A_32 : memref<640x128xf32, #tpu.memory_space<vmem_shared>>) dst(%dma_wait3A_30 : memref<640x128xf32, #tpu.memory_space<hbm>>)
      tpu.yield
    }) : () -> ()
    return
  }
}

#map = affine_map<(d0, d1) -> (0, 0)>
#map1 = affine_map<(d0, d1) -> (0, 0, 0, 0, 0)>
#map2 = affine_map<(d0, d1) -> (0, 0, 0, 0)>
#map3 = affine_map<(d0, d1) -> (0, 0, 0)>
module attributes {stable_mosaic.version = 14 : i64} {
  func.func @_sc_agg_body(%arg0: i32, %arg1: i32, %arg2: memref<20000x128xf32, #tpu.memory_space<hbm>>, %arg3: memref<2x16x2x40x128xi32, #tpu.memory_space<hbm>>, %arg4: memref<16x2x40x128xi32, #tpu.memory_space<hbm>>, %arg5: memref<2x10240x128xf32, #tpu.memory_space<hbm>>, %arg6: memref<40x128xi32, #tpu.memory_space<vmem>>, %arg7: memref<40x128xi32, #tpu.memory_space<vmem>>, %arg8: memref<128x128xf32, #tpu.memory_space<vmem>>, %arg9: memref<128x128xf32, #tpu.memory_space<vmem>>, %arg10: memref<10240x128xf32, #tpu.memory_space<vmem_shared>>, %arg11: memref<!tpu.dma_semaphore, #tpu.memory_space<semaphore_mem>>, %arg12: memref<!tpu.dma_semaphore, #tpu.memory_space<semaphore_mem>>) attributes {dimension_semantics = [#tpu.dimension_semantics<core_parallel>, #tpu.dimension_semantics<subcore_parallel>], iteration_bounds = array<i64: 2, 16>, scalar_prefetch = 0 : i64, scratch_operands = 7 : i64, tpu.core_type = #tpu.core_type<sc_vector_subcore>, window_params = [{transform_indices = #map}, {transform_indices = #map1}, {transform_indices = #map2}, {transform_indices = #map3}]} {
    %mul3A = arith.constant 640 : i32
    %mul3A_0 = arith.muli %arg1, %mul3A : i32
    %broadcast_in_dim3A = arith.constant 0.000000e+00 : f32
    %broadcast_in_dim3A_1 = vector.broadcast %broadcast_in_dim3A : f32 to vector<16xf32>
    %scan3A = arith.constant 0 : i32
    %scan3A_2 = arith.constant 0 : i32
    %scan3A_3 = arith.constant 1024 : i32
    %scan3A_4 = arith.addi %scan3A_2, %scan3A_3 : i32
    %scan3A_5 = arith.constant 1 : i32
    %scan3A_6 = scf.for %scan3A_25 = %scan3A_2 to %scan3A_4 step %scan3A_5 iter_args(%scan3A_26 = %scan3A) -> (i32)  : i32 {
      %jit3A = arith.constant 8 : i32
      %div3A = arith.divsi %scan3A_25, %jit3A : i32
      %sign3A = arith.constant 0 : i32
      %sign3A_27 = arith.cmpi sgt, %scan3A_25, %sign3A : i32
      %sign3A_28 = arith.extui %sign3A_27 : i1 to i32
      %sign3A_29 = arith.constant 0 : i32
      %sign3A_30 = arith.cmpi slt, %scan3A_25, %sign3A_29 : i32
      %sign3A_31 = arith.extui %sign3A_30 : i1 to i32
      %sign3A_32 = arith.subi %sign3A_28, %sign3A_31 : i32
      %sign3A_33 = arith.constant 0 : i32
      %sign3A_34 = arith.cmpi sgt, %jit3A, %sign3A_33 : i32
      %sign3A_35 = arith.extui %sign3A_34 : i1 to i32
      %sign3A_36 = arith.constant 0 : i32
      %sign3A_37 = arith.cmpi slt, %jit3A, %sign3A_36 : i32
      %sign3A_38 = arith.extui %sign3A_37 : i1 to i32
      %sign3A_39 = arith.subi %sign3A_35, %sign3A_38 : i32
      %ne3A = arith.cmpi ne, %sign3A_32, %sign3A_39 : i32
      %rem3A = arith.remsi %scan3A_25, %jit3A : i32
      %ne3A_40 = arith.constant 0 : i32
      %ne3A_41 = arith.cmpi ne, %rem3A, %ne3A_40 : i32
      %and3A = arith.andi %ne3A, %ne3A_41 : i1
      %sub3A = arith.constant 1 : i32
      %sub3A_42 = arith.subi %div3A, %sub3A : i32
      %select_n3A = arith.select %and3A, %sub3A_42, %div3A : i32
      %mul3A_43 = arith.constant 8 : i32
      %mul3A_44 = arith.muli %select_n3A, %mul3A_43 : i32
      %sub3A_45 = arith.subi %scan3A_25, %mul3A_44 : i32
      %mul3A_46 = arith.constant 16 : i32
      %mul3A_47 = arith.muli %sub3A_45, %mul3A_46 : i32
      %swap3A = arith.index_cast %select_n3A : i32 to index
      %swap3A_48 = arith.index_cast %mul3A_47 : i32 to index
      %swap3A_49 = tpu.vector_load %arg8[%swap3A, %swap3A_48] {strides = array<i32>} : memref<128x128xf32, #tpu.memory_space<vmem>>, vector<1x16xf32>,
      %swap3A_50 = vector.shape_cast %swap3A_49 : vector<1x16xf32> to vector<16xf32>
      %swap3A_51 = vector.shape_cast %broadcast_in_dim3A_1 : vector<16xf32> to vector<1x16xf32>
      tpu.vector_store %arg8[%swap3A, %swap3A_48], %swap3A_51 {strides = array<i32>} : memref<128x128xf32, #tpu.memory_space<vmem>>, vector<1x16xf32>,
      %scan3A_52 = arith.constant 0 : i32
      scf.yield %scan3A_52 : i32
    }
    %scan3A_7 = arith.constant 1024 : i32
    %add3A = arith.constant 0 : i32
    %add3A_8 = arith.addi %mul3A_0, %add3A : i32
    "tpu.region"() ({
      %run_scoped3A = tpu.sem_alloc : memref<!tpu.dma_semaphore, #tpu.memory_space<semaphore_mem>>
      %dma_start3A = arith.constant 0 : i32
      %dma_start3A_25 = tpu.memref_slice %arg10[%add3A_8, %dma_start3A] : memref<10240x128xf32, #tpu.memory_space<vmem_shared>> -> memref<128x128xf32, #tpu.memory_space<vmem_shared>>
      %dma_start3A_26 = arith.constant 0 : i32
      %dma_start3A_27 = tpu.memref_slice %arg10[%add3A_8, %dma_start3A_26] : memref<10240x128xf32, #tpu.memory_space<vmem_shared>> -> memref<128x128xf32, #tpu.memory_space<vmem_shared>>
      tpu.enqueue_dma source(%arg8 : memref<128x128xf32, #tpu.memory_space<vmem>>) target(%dma_start3A_27 : memref<128x128xf32, #tpu.memory_space<vmem_shared>>) target_semaphore(%run_scoped3A : memref<!tpu.dma_semaphore, #tpu.memory_space<semaphore_mem>>)
      %dma_wait3A = arith.constant 0 : i32
      %dma_wait3A_28 = tpu.memref_slice %arg10[%add3A_8, %dma_wait3A] : memref<10240x128xf32, #tpu.memory_space<vmem_shared>> -> memref<128x128xf32, #tpu.memory_space<vmem_shared>>
      %dma_wait3A_29 = arith.constant 0 : i32
      %dma_wait3A_30 = tpu.memref_slice %arg10[%add3A_8, %dma_wait3A_29] : memref<10240x128xf32, #tpu.memory_space<vmem_shared>> -> memref<128x128xf32, #tpu.memory_space<vmem_shared>>
      tpu.wait_dma2 semaphore(%run_scoped3A : memref<!tpu.dma_semaphore, #tpu.memory_space<semaphore_mem>>) src(%arg8 : memref<128x128xf32, #tpu.memory_space<vmem>>) dst(%dma_wait3A_30 : memref<128x128xf32, #tpu.memory_space<vmem_shared>>)
      tpu.yield
    }) : () -> ()
    %add3A_9 = arith.constant 128 : i32
    %add3A_10 = arith.addi %mul3A_0, %add3A_9 : i32
    "tpu.region"() ({
      %run_scoped3A = tpu.sem_alloc : memref<!tpu.dma_semaphore, #tpu.memory_space<semaphore_mem>>
      %dma_start3A = arith.constant 0 : i32
      %dma_start3A_25 = tpu.memref_slice %arg10[%add3A_10, %dma_start3A] : memref<10240x128xf32, #tpu.memory_space<vmem_shared>> -> memref<128x128xf32, #tpu.memory_space<vmem_shared>>
      %dma_start3A_26 = arith.constant 0 : i32
      %dma_start3A_27 = tpu.memref_slice %arg10[%add3A_10, %dma_start3A_26] : memref<10240x128xf32, #tpu.memory_space<vmem_shared>> -> memref<128x128xf32, #tpu.memory_space<vmem_shared>>
      tpu.enqueue_dma source(%arg8 : memref<128x128xf32, #tpu.memory_space<vmem>>) target(%dma_start3A_27 : memref<128x128xf32, #tpu.memory_space<vmem_shared>>) target_semaphore(%run_scoped3A : memref<!tpu.dma_semaphore, #tpu.memory_space<semaphore_mem>>)
      %dma_wait3A = arith.constant 0 : i32
      %dma_wait3A_28 = tpu.memref_slice %arg10[%add3A_10, %dma_wait3A] : memref<10240x128xf32, #tpu.memory_space<vmem_shared>> -> memref<128x128xf32, #tpu.memory_space<vmem_shared>>
      %dma_wait3A_29 = arith.constant 0 : i32
      %dma_wait3A_30 = tpu.memref_slice %arg10[%add3A_10, %dma_wait3A_29] : memref<10240x128xf32, #tpu.memory_space<vmem_shared>> -> memref<128x128xf32, #tpu.memory_space<vmem_shared>>
      tpu.wait_dma2 semaphore(%run_scoped3A : memref<!tpu.dma_semaphore, #tpu.memory_space<semaphore_mem>>) src(%arg8 : memref<128x128xf32, #tpu.memory_space<vmem>>) dst(%dma_wait3A_30 : memref<128x128xf32, #tpu.memory_space<vmem_shared>>)
      tpu.yield
    }) : () -> ()
    %add3A_11 = arith.constant 256 : i32
    %add3A_12 = arith.addi %mul3A_0, %add3A_11 : i32
    "tpu.region"() ({
      %run_scoped3A = tpu.sem_alloc : memref<!tpu.dma_semaphore, #tpu.memory_space<semaphore_mem>>
      %dma_start3A = arith.constant 0 : i32
      %dma_start3A_25 = tpu.memref_slice %arg10[%add3A_12, %dma_start3A] : memref<10240x128xf32, #tpu.memory_space<vmem_shared>> -> memref<128x128xf32, #tpu.memory_space<vmem_shared>>
      %dma_start3A_26 = arith.constant 0 : i32
      %dma_start3A_27 = tpu.memref_slice %arg10[%add3A_12, %dma_start3A_26] : memref<10240x128xf32, #tpu.memory_space<vmem_shared>> -> memref<128x128xf32, #tpu.memory_space<vmem_shared>>
      tpu.enqueue_dma source(%arg8 : memref<128x128xf32, #tpu.memory_space<vmem>>) target(%dma_start3A_27 : memref<128x128xf32, #tpu.memory_space<vmem_shared>>) target_semaphore(%run_scoped3A : memref<!tpu.dma_semaphore, #tpu.memory_space<semaphore_mem>>)
      %dma_wait3A = arith.constant 0 : i32
      %dma_wait3A_28 = tpu.memref_slice %arg10[%add3A_12, %dma_wait3A] : memref<10240x128xf32, #tpu.memory_space<vmem_shared>> -> memref<128x128xf32, #tpu.memory_space<vmem_shared>>
      %dma_wait3A_29 = arith.constant 0 : i32
      %dma_wait3A_30 = tpu.memref_slice %arg10[%add3A_12, %dma_wait3A_29] : memref<10240x128xf32, #tpu.memory_space<vmem_shared>> -> memref<128x128xf32, #tpu.memory_space<vmem_shared>>
      tpu.wait_dma2 semaphore(%run_scoped3A : memref<!tpu.dma_semaphore, #tpu.memory_space<semaphore_mem>>) src(%arg8 : memref<128x128xf32, #tpu.memory_space<vmem>>) dst(%dma_wait3A_30 : memref<128x128xf32, #tpu.memory_space<vmem_shared>>)
      tpu.yield
    }) : () -> ()
    %add3A_13 = arith.constant 384 : i32
    %add3A_14 = arith.addi %mul3A_0, %add3A_13 : i32
    "tpu.region"() ({
      %run_scoped3A = tpu.sem_alloc : memref<!tpu.dma_semaphore, #tpu.memory_space<semaphore_mem>>
      %dma_start3A = arith.constant 0 : i32
      %dma_start3A_25 = tpu.memref_slice %arg10[%add3A_14, %dma_start3A] : memref<10240x128xf32, #tpu.memory_space<vmem_shared>> -> memref<128x128xf32, #tpu.memory_space<vmem_shared>>
      %dma_start3A_26 = arith.constant 0 : i32
      %dma_start3A_27 = tpu.memref_slice %arg10[%add3A_14, %dma_start3A_26] : memref<10240x128xf32, #tpu.memory_space<vmem_shared>> -> memref<128x128xf32, #tpu.memory_space<vmem_shared>>
      tpu.enqueue_dma source(%arg8 : memref<128x128xf32, #tpu.memory_space<vmem>>) target(%dma_start3A_27 : memref<128x128xf32, #tpu.memory_space<vmem_shared>>) target_semaphore(%run_scoped3A : memref<!tpu.dma_semaphore, #tpu.memory_space<semaphore_mem>>)
      %dma_wait3A = arith.constant 0 : i32
      %dma_wait3A_28 = tpu.memref_slice %arg10[%add3A_14, %dma_wait3A] : memref<10240x128xf32, #tpu.memory_space<vmem_shared>> -> memref<128x128xf32, #tpu.memory_space<vmem_shared>>
      %dma_wait3A_29 = arith.constant 0 : i32
      %dma_wait3A_30 = tpu.memref_slice %arg10[%add3A_14, %dma_wait3A_29] : memref<10240x128xf32, #tpu.memory_space<vmem_shared>> -> memref<128x128xf32, #tpu.memory_space<vmem_shared>>
      tpu.wait_dma2 semaphore(%run_scoped3A : memref<!tpu.dma_semaphore, #tpu.memory_space<semaphore_mem>>) src(%arg8 : memref<128x128xf32, #tpu.memory_space<vmem>>) dst(%dma_wait3A_30 : memref<128x128xf32, #tpu.memory_space<vmem_shared>>)
      tpu.yield
    }) : () -> ()
    %add3A_15 = arith.constant 512 : i32
    %add3A_16 = arith.addi %mul3A_0, %add3A_15 : i32
    "tpu.region"() ({
      %run_scoped3A = tpu.sem_alloc : memref<!tpu.dma_semaphore, #tpu.memory_space<semaphore_mem>>
      %dma_start3A = arith.constant 0 : i32
      %dma_start3A_25 = tpu.memref_slice %arg10[%add3A_16, %dma_start3A] : memref<10240x128xf32, #tpu.memory_space<vmem_shared>> -> memref<128x128xf32, #tpu.memory_space<vmem_shared>>
      %dma_start3A_26 = arith.constant 0 : i32
      %dma_start3A_27 = tpu.memref_slice %arg10[%add3A_16, %dma_start3A_26] : memref<10240x128xf32, #tpu.memory_space<vmem_shared>> -> memref<128x128xf32, #tpu.memory_space<vmem_shared>>
      tpu.enqueue_dma source(%arg8 : memref<128x128xf32, #tpu.memory_space<vmem>>) target(%dma_start3A_27 : memref<128x128xf32, #tpu.memory_space<vmem_shared>>) target_semaphore(%run_scoped3A : memref<!tpu.dma_semaphore, #tpu.memory_space<semaphore_mem>>)
      %dma_wait3A = arith.constant 0 : i32
      %dma_wait3A_28 = tpu.memref_slice %arg10[%add3A_16, %dma_wait3A] : memref<10240x128xf32, #tpu.memory_space<vmem_shared>> -> memref<128x128xf32, #tpu.memory_space<vmem_shared>>
      %dma_wait3A_29 = arith.constant 0 : i32
      %dma_wait3A_30 = tpu.memref_slice %arg10[%add3A_16, %dma_wait3A_29] : memref<10240x128xf32, #tpu.memory_space<vmem_shared>> -> memref<128x128xf32, #tpu.memory_space<vmem_shared>>
      tpu.wait_dma2 semaphore(%run_scoped3A : memref<!tpu.dma_semaphore, #tpu.memory_space<semaphore_mem>>) src(%arg8 : memref<128x128xf32, #tpu.memory_space<vmem>>) dst(%dma_wait3A_30 : memref<128x128xf32, #tpu.memory_space<vmem_shared>>)
      tpu.yield
    }) : () -> ()
    %barrier3A = arith.constant 0 : index
    tpu.barrier barrier_id(%barrier3A)
    %scan3A_17 = arith.constant 0 : i32
    %scan3A_18 = arith.constant 0 : i32
    %scan3A_19 = arith.constant 2 : i32
    %scan3A_20 = arith.addi %scan3A_18, %scan3A_19 : i32
    %scan3A_21 = arith.constant 1 : i32
    %scan3A_22 = scf.for %scan3A_25 = %scan3A_18 to %scan3A_20 step %scan3A_21 iter_args(%scan3A_26 = %scan3A_17) -> (i32)  : i32 {
      "tpu.region"() ({
        %run_scoped3A = tpu.sem_alloc : memref<!tpu.dma_semaphore, #tpu.memory_space<semaphore_mem>>
        %dma_start3A_41 = arith.constant 0 : i32
        %dma_start3A_42 = arith.constant 0 : i32
        %dma_start3A_43 = tpu.memref_slice %arg3[%arg0, %arg1, %scan3A_25, %dma_start3A_41, %dma_start3A_42] : memref<2x16x2x40x128xi32, #tpu.memory_space<hbm>> -> memref<1x1x1x40x128xi32, #tpu.memory_space<hbm>>
        %dma_start3A_44 = tpu.memref_squeeze %dma_start3A_43 : memref<1x1x1x40x128xi32, #tpu.memory_space<hbm>> -> memref<40x128xi32, #tpu.memory_space<hbm>>
        %dma_start3A_45 = arith.constant 0 : i32
        %dma_start3A_46 = arith.constant 0 : i32
        %dma_start3A_47 = tpu.memref_slice %arg3[%arg0, %arg1, %scan3A_25, %dma_start3A_45, %dma_start3A_46] : memref<2x16x2x40x128xi32, #tpu.memory_space<hbm>> -> memref<1x1x1x40x128xi32, #tpu.memory_space<hbm>>
        %dma_start3A_48 = tpu.memref_squeeze %dma_start3A_47 : memref<1x1x1x40x128xi32, #tpu.memory_space<hbm>> -> memref<40x128xi32, #tpu.memory_space<hbm>>
        tpu.enqueue_dma source(%dma_start3A_48 : memref<40x128xi32, #tpu.memory_space<hbm>>) target(%arg6 : memref<40x128xi32, #tpu.memory_space<vmem>>) target_semaphore(%run_scoped3A : memref<!tpu.dma_semaphore, #tpu.memory_space<semaphore_mem>>)
        %dma_wait3A = arith.constant 0 : i32
        %dma_wait3A_49 = arith.constant 0 : i32
        %dma_wait3A_50 = tpu.memref_slice %arg3[%arg0, %arg1, %scan3A_25, %dma_wait3A, %dma_wait3A_49] : memref<2x16x2x40x128xi32, #tpu.memory_space<hbm>> -> memref<1x1x1x40x128xi32, #tpu.memory_space<hbm>>
        %dma_wait3A_51 = tpu.memref_squeeze %dma_wait3A_50 : memref<1x1x1x40x128xi32, #tpu.memory_space<hbm>> -> memref<40x128xi32, #tpu.memory_space<hbm>>
        %dma_wait3A_52 = arith.constant 0 : i32
        %dma_wait3A_53 = arith.constant 0 : i32
        %dma_wait3A_54 = tpu.memref_slice %arg3[%arg0, %arg1, %scan3A_25, %dma_wait3A_52, %dma_wait3A_53] : memref<2x16x2x40x128xi32, #tpu.memory_space<hbm>> -> memref<1x1x1x40x128xi32, #tpu.memory_space<hbm>>
        %dma_wait3A_55 = tpu.memref_squeeze %dma_wait3A_54 : memref<1x1x1x40x128xi32, #tpu.memory_space<hbm>> -> memref<40x128xi32, #tpu.memory_space<hbm>>
        tpu.wait_dma2 semaphore(%run_scoped3A : memref<!tpu.dma_semaphore, #tpu.memory_space<semaphore_mem>>) src(%dma_wait3A_55 : memref<40x128xi32, #tpu.memory_space<hbm>>) dst(%arg6 : memref<40x128xi32, #tpu.memory_space<vmem>>)
        tpu.yield
      }) : () -> ()
      "tpu.region"() ({
        %run_scoped3A = tpu.sem_alloc : memref<!tpu.dma_semaphore, #tpu.memory_space<semaphore_mem>>
        %dma_start3A_41 = arith.constant 0 : i32
        %dma_start3A_42 = arith.constant 0 : i32
        %dma_start3A_43 = tpu.memref_slice %arg4[%arg1, %scan3A_25, %dma_start3A_41, %dma_start3A_42] : memref<16x2x40x128xi32, #tpu.memory_space<hbm>> -> memref<1x1x40x128xi32, #tpu.memory_space<hbm>>
        %dma_start3A_44 = tpu.memref_squeeze %dma_start3A_43 : memref<1x1x40x128xi32, #tpu.memory_space<hbm>> -> memref<40x128xi32, #tpu.memory_space<hbm>>
        %dma_start3A_45 = arith.constant 0 : i32
        %dma_start3A_46 = arith.constant 0 : i32
        %dma_start3A_47 = tpu.memref_slice %arg4[%arg1, %scan3A_25, %dma_start3A_45, %dma_start3A_46] : memref<16x2x40x128xi32, #tpu.memory_space<hbm>> -> memref<1x1x40x128xi32, #tpu.memory_space<hbm>>
        %dma_start3A_48 = tpu.memref_squeeze %dma_start3A_47 : memref<1x1x40x128xi32, #tpu.memory_space<hbm>> -> memref<40x128xi32, #tpu.memory_space<hbm>>
        tpu.enqueue_dma source(%dma_start3A_48 : memref<40x128xi32, #tpu.memory_space<hbm>>) target(%arg7 : memref<40x128xi32, #tpu.memory_space<vmem>>) target_semaphore(%run_scoped3A : memref<!tpu.dma_semaphore, #tpu.memory_space<semaphore_mem>>)
        %dma_wait3A = arith.constant 0 : i32
        %dma_wait3A_49 = arith.constant 0 : i32
        %dma_wait3A_50 = tpu.memref_slice %arg4[%arg1, %scan3A_25, %dma_wait3A, %dma_wait3A_49] : memref<16x2x40x128xi32, #tpu.memory_space<hbm>> -> memref<1x1x40x128xi32, #tpu.memory_space<hbm>>
        %dma_wait3A_51 = tpu.memref_squeeze %dma_wait3A_50 : memref<1x1x40x128xi32, #tpu.memory_space<hbm>> -> memref<40x128xi32, #tpu.memory_space<hbm>>
        %dma_wait3A_52 = arith.constant 0 : i32
        %dma_wait3A_53 = arith.constant 0 : i32
        %dma_wait3A_54 = tpu.memref_slice %arg4[%arg1, %scan3A_25, %dma_wait3A_52, %dma_wait3A_53] : memref<16x2x40x128xi32, #tpu.memory_space<hbm>> -> memref<1x1x40x128xi32, #tpu.memory_space<hbm>>
        %dma_wait3A_55 = tpu.memref_squeeze %dma_wait3A_54 : memref<1x1x40x128xi32, #tpu.memory_space<hbm>> -> memref<40x128xi32, #tpu.memory_space<hbm>>
        tpu.wait_dma2 semaphore(%run_scoped3A : memref<!tpu.dma_semaphore, #tpu.memory_space<semaphore_mem>>) src(%dma_wait3A_55 : memref<40x128xi32, #tpu.memory_space<hbm>>) dst(%arg7 : memref<40x128xi32, #tpu.memory_space<vmem>>)
        tpu.yield
      }) : () -> ()
      %dma_start3A = arith.constant 0 : i32
      %dma_start3A_27 = arith.constant 0 : i32
      %dma_start3A_28 = tpu.memref_slice %arg6[%dma_start3A, %dma_start3A_27] : memref<40x128xi32, #tpu.memory_space<vmem>> -> memref<1x128xi32, #tpu.memory_space<vmem>>
      %dma_start3A_29 = tpu.memref_squeeze %dma_start3A_28 : memref<1x128xi32, #tpu.memory_space<vmem>> -> memref<128xi32, #tpu.memory_space<vmem>>
      %dma_start3A_30 = arith.constant 0 : i32
      %dma_start3A_31 = arith.constant 0 : i32
      %dma_start3A_32 = tpu.memref_slice %arg2[%dma_start3A_30, %dma_start3A_31] : memref<20000x128xf32, #tpu.memory_space<hbm>> -> memref<20000x128xf32, #tpu.memory_space<hbm>>
      tpu.enqueue_indirect_dma source(%dma_start3A_32 : memref<20000x128xf32, #tpu.memory_space<hbm>>) target(%arg8 : memref<128x128xf32, #tpu.memory_space<vmem>>) offsets(%dma_start3A_29 : memref<128xi32, #tpu.memory_space<vmem>>) semaphore(%arg11 : memref<!tpu.dma_semaphore, #tpu.memory_space<semaphore_mem>>)
      %scan3A_33 = arith.constant 0 : i32
      %scan3A_34 = arith.constant 0 : i32
      %scan3A_35 = arith.constant 20 : i32
      %scan3A_36 = arith.addi %scan3A_34, %scan3A_35 : i32
      %scan3A_37 = arith.constant 1 : i32
      %scan3A_38 = scf.for %scan3A_41 = %scan3A_34 to %scan3A_36 step %scan3A_37 iter_args(%scan3A_42 = %scan3A_33) -> (i32)  : i32 {
        %mul3A_43 = arith.constant 2 : i32
        %mul3A_44 = arith.muli %scan3A_41, %mul3A_43 : i32
        %add3A_45 = arith.constant 1 : i32
        %add3A_46 = arith.addi %mul3A_44, %add3A_45 : i32
        %dma_start3A_47 = arith.constant 0 : i32
        %dma_start3A_48 = tpu.memref_slice %arg6[%add3A_46, %dma_start3A_47] : memref<40x128xi32, #tpu.memory_space<vmem>> -> memref<1x128xi32, #tpu.memory_space<vmem>>
        %dma_start3A_49 = tpu.memref_squeeze %dma_start3A_48 : memref<1x128xi32, #tpu.memory_space<vmem>> -> memref<128xi32, #tpu.memory_space<vmem>>
        %dma_start3A_50 = arith.constant 0 : i32
        %dma_start3A_51 = arith.constant 0 : i32
        %dma_start3A_52 = tpu.memref_slice %arg2[%dma_start3A_50, %dma_start3A_51] : memref<20000x128xf32, #tpu.memory_space<hbm>> -> memref<20000x128xf32, #tpu.memory_space<hbm>>
        tpu.enqueue_indirect_dma source(%dma_start3A_52 : memref<20000x128xf32, #tpu.memory_space<hbm>>) target(%arg9 : memref<128x128xf32, #tpu.memory_space<vmem>>) offsets(%dma_start3A_49 : memref<128xi32, #tpu.memory_space<vmem>>) semaphore(%arg12 : memref<!tpu.dma_semaphore, #tpu.memory_space<semaphore_mem>>)
        %dma_wait3A = arith.constant 0 : i32
        %dma_wait3A_53 = tpu.memref_slice %arg6[%mul3A_44, %dma_wait3A] : memref<40x128xi32, #tpu.memory_space<vmem>> -> memref<1x128xi32, #tpu.memory_space<vmem>>
        %dma_wait3A_54 = tpu.memref_squeeze %dma_wait3A_53 : memref<1x128xi32, #tpu.memory_space<vmem>> -> memref<128xi32, #tpu.memory_space<vmem>>
        %dma_wait3A_55 = arith.constant 0 : i32
        %dma_wait3A_56 = arith.constant 0 : i32
        %dma_wait3A_57 = tpu.memref_slice %arg2[%dma_wait3A_55, %dma_wait3A_56] : memref<20000x128xf32, #tpu.memory_space<hbm>> -> memref<20000x128xf32, #tpu.memory_space<hbm>>
        tpu.wait_indirect_dma semaphore(%arg11 : memref<!tpu.dma_semaphore, #tpu.memory_space<semaphore_mem>>) src(%dma_wait3A_57 : memref<20000x128xf32, #tpu.memory_space<hbm>>) dst(%arg8 : memref<128x128xf32, #tpu.memory_space<vmem>>)
        "tpu.region"() ({
          %run_scoped3A = tpu.sem_alloc : memref<!tpu.dma_semaphore, #tpu.memory_space<semaphore_mem>>
          %dma_start3A_73 = arith.constant 0 : i32
          %dma_start3A_74 = tpu.memref_slice %arg7[%mul3A_44, %dma_start3A_73] : memref<40x128xi32, #tpu.memory_space<vmem>> -> memref<1x128xi32, #tpu.memory_space<vmem>>
          %dma_start3A_75 = tpu.memref_squeeze %dma_start3A_74 : memref<1x128xi32, #tpu.memory_space<vmem>> -> memref<128xi32, #tpu.memory_space<vmem>>
          %dma_start3A_76 = arith.constant 0 : i32
          %dma_start3A_77 = arith.constant 0 : i32
          %dma_start3A_78 = tpu.memref_slice %arg10[%dma_start3A_76, %dma_start3A_77] : memref<10240x128xf32, #tpu.memory_space<vmem_shared>> -> memref<10240x128xf32, #tpu.memory_space<vmem_shared>>
          tpu.enqueue_indirect_dma source(%arg8 : memref<128x128xf32, #tpu.memory_space<vmem>>) target(%dma_start3A_78 : memref<10240x128xf32, #tpu.memory_space<vmem_shared>>) offsets(%dma_start3A_75 : memref<128xi32, #tpu.memory_space<vmem>>) semaphore(%run_scoped3A : memref<!tpu.dma_semaphore, #tpu.memory_space<semaphore_mem>>) {add = true}
          %dma_wait3A_79 = arith.constant 0 : i32
          %dma_wait3A_80 = tpu.memref_slice %arg7[%mul3A_44, %dma_wait3A_79] : memref<40x128xi32, #tpu.memory_space<vmem>> -> memref<1x128xi32, #tpu.memory_space<vmem>>
          %dma_wait3A_81 = tpu.memref_squeeze %dma_wait3A_80 : memref<1x128xi32, #tpu.memory_space<vmem>> -> memref<128xi32, #tpu.memory_space<vmem>>
          %dma_wait3A_82 = arith.constant 0 : i32
          %dma_wait3A_83 = arith.constant 0 : i32
          %dma_wait3A_84 = tpu.memref_slice %arg10[%dma_wait3A_82, %dma_wait3A_83] : memref<10240x128xf32, #tpu.memory_space<vmem_shared>> -> memref<10240x128xf32, #tpu.memory_space<vmem_shared>>
          tpu.wait_indirect_dma semaphore(%run_scoped3A : memref<!tpu.dma_semaphore, #tpu.memory_space<semaphore_mem>>) src(%arg8 : memref<128x128xf32, #tpu.memory_space<vmem>>) dst(%dma_wait3A_84 : memref<10240x128xf32, #tpu.memory_space<vmem_shared>>)
          tpu.yield
        }) : () -> ()
        %add3A_58 = arith.constant 2 : i32
        %add3A_59 = arith.addi %mul3A_44, %add3A_58 : i32
        %lt3A = arith.constant 40 : i32
        %lt3A_60 = arith.cmpi slt, %add3A_59, %lt3A : i32
        %convert_element_type3A = arith.extui %lt3A_60 : i1 to i32
        %cond3A = arith.constant 0 : i32
        %cond3A_61 = arith.cmpi ne, %convert_element_type3A, %cond3A : i32
        scf.if %cond3A_61 {
          %add3A_73 = arith.constant 2 : i32
          %add3A_74 = arith.addi %mul3A_44, %add3A_73 : i32
          %dma_start3A_75 = arith.constant 0 : i32
          %dma_start3A_76 = tpu.memref_slice %arg6[%add3A_74, %dma_start3A_75] : memref<40x128xi32, #tpu.memory_space<vmem>> -> memref<1x128xi32, #tpu.memory_space<vmem>>
          %dma_start3A_77 = tpu.memref_squeeze %dma_start3A_76 : memref<1x128xi32, #tpu.memory_space<vmem>> -> memref<128xi32, #tpu.memory_space<vmem>>
          %dma_start3A_78 = arith.constant 0 : i32
          %dma_start3A_79 = arith.constant 0 : i32
          %dma_start3A_80 = tpu.memref_slice %arg2[%dma_start3A_78, %dma_start3A_79] : memref<20000x128xf32, #tpu.memory_space<hbm>> -> memref<20000x128xf32, #tpu.memory_space<hbm>>
          tpu.enqueue_indirect_dma source(%dma_start3A_80 : memref<20000x128xf32, #tpu.memory_space<hbm>>) target(%arg8 : memref<128x128xf32, #tpu.memory_space<vmem>>) offsets(%dma_start3A_77 : memref<128xi32, #tpu.memory_space<vmem>>) semaphore(%arg11 : memref<!tpu.dma_semaphore, #tpu.memory_space<semaphore_mem>>)
        } else {
        }
        %add3A_62 = arith.constant 1 : i32
        %add3A_63 = arith.addi %mul3A_44, %add3A_62 : i32
        %dma_wait3A_64 = arith.constant 0 : i32
        %dma_wait3A_65 = tpu.memref_slice %arg6[%add3A_63, %dma_wait3A_64] : memref<40x128xi32, #tpu.memory_space<vmem>> -> memref<1x128xi32, #tpu.memory_space<vmem>>
        %dma_wait3A_66 = tpu.memref_squeeze %dma_wait3A_65 : memref<1x128xi32, #tpu.memory_space<vmem>> -> memref<128xi32, #tpu.memory_space<vmem>>
        %dma_wait3A_67 = arith.constant 0 : i32
        %dma_wait3A_68 = arith.constant 0 : i32
        %dma_wait3A_69 = tpu.memref_slice %arg2[%dma_wait3A_67, %dma_wait3A_68] : memref<20000x128xf32, #tpu.memory_space<hbm>> -> memref<20000x128xf32, #tpu.memory_space<hbm>>
        tpu.wait_indirect_dma semaphore(%arg12 : memref<!tpu.dma_semaphore, #tpu.memory_space<semaphore_mem>>) src(%dma_wait3A_69 : memref<20000x128xf32, #tpu.memory_space<hbm>>) dst(%arg9 : memref<128x128xf32, #tpu.memory_space<vmem>>)
        %add3A_70 = arith.constant 1 : i32
        %add3A_71 = arith.addi %mul3A_44, %add3A_70 : i32
        "tpu.region"() ({
          %run_scoped3A = tpu.sem_alloc : memref<!tpu.dma_semaphore, #tpu.memory_space<semaphore_mem>>
          %dma_start3A_73 = arith.constant 0 : i32
          %dma_start3A_74 = tpu.memref_slice %arg7[%add3A_71, %dma_start3A_73] : memref<40x128xi32, #tpu.memory_space<vmem>> -> memref<1x128xi32, #tpu.memory_space<vmem>>
          %dma_start3A_75 = tpu.memref_squeeze %dma_start3A_74 : memref<1x128xi32, #tpu.memory_space<vmem>> -> memref<128xi32, #tpu.memory_space<vmem>>
          %dma_start3A_76 = arith.constant 0 : i32
          %dma_start3A_77 = arith.constant 0 : i32
          %dma_start3A_78 = tpu.memref_slice %arg10[%dma_start3A_76, %dma_start3A_77] : memref<10240x128xf32, #tpu.memory_space<vmem_shared>> -> memref<10240x128xf32, #tpu.memory_space<vmem_shared>>
          tpu.enqueue_indirect_dma source(%arg9 : memref<128x128xf32, #tpu.memory_space<vmem>>) target(%dma_start3A_78 : memref<10240x128xf32, #tpu.memory_space<vmem_shared>>) offsets(%dma_start3A_75 : memref<128xi32, #tpu.memory_space<vmem>>) semaphore(%run_scoped3A : memref<!tpu.dma_semaphore, #tpu.memory_space<semaphore_mem>>) {add = true}
          %dma_wait3A_79 = arith.constant 0 : i32
          %dma_wait3A_80 = tpu.memref_slice %arg7[%add3A_71, %dma_wait3A_79] : memref<40x128xi32, #tpu.memory_space<vmem>> -> memref<1x128xi32, #tpu.memory_space<vmem>>
          %dma_wait3A_81 = tpu.memref_squeeze %dma_wait3A_80 : memref<1x128xi32, #tpu.memory_space<vmem>> -> memref<128xi32, #tpu.memory_space<vmem>>
          %dma_wait3A_82 = arith.constant 0 : i32
          %dma_wait3A_83 = arith.constant 0 : i32
          %dma_wait3A_84 = tpu.memref_slice %arg10[%dma_wait3A_82, %dma_wait3A_83] : memref<10240x128xf32, #tpu.memory_space<vmem_shared>> -> memref<10240x128xf32, #tpu.memory_space<vmem_shared>>
          tpu.wait_indirect_dma semaphore(%run_scoped3A : memref<!tpu.dma_semaphore, #tpu.memory_space<semaphore_mem>>) src(%arg9 : memref<128x128xf32, #tpu.memory_space<vmem>>) dst(%dma_wait3A_84 : memref<10240x128xf32, #tpu.memory_space<vmem_shared>>)
          tpu.yield
        }) : () -> ()
        %scan3A_72 = arith.constant 0 : i32
        scf.yield %scan3A_72 : i32
      }
      %scan3A_39 = arith.constant 20 : i32
      %scan3A_40 = arith.constant 0 : i32
      scf.yield %scan3A_40 : i32
    }
    %scan3A_23 = arith.constant 2 : i32
    %barrier3A_24 = arith.constant 0 : index
    tpu.barrier barrier_id(%barrier3A_24)
    "tpu.region"() ({
      %run_scoped3A = tpu.sem_alloc : memref<!tpu.dma_semaphore, #tpu.memory_space<semaphore_mem>>
      %dma_start3A = arith.constant 0 : i32
      %dma_start3A_25 = tpu.memref_slice %arg5[%arg0, %mul3A_0, %dma_start3A] : memref<2x10240x128xf32, #tpu.memory_space<hbm>> -> memref<1x640x128xf32, #tpu.memory_space<hbm>>
      %dma_start3A_26 = tpu.memref_squeeze %dma_start3A_25 : memref<1x640x128xf32, #tpu.memory_space<hbm>> -> memref<640x128xf32, #tpu.memory_space<hbm>>
      %dma_start3A_27 = arith.constant 0 : i32
      %dma_start3A_28 = tpu.memref_slice %arg10[%mul3A_0, %dma_start3A_27] : memref<10240x128xf32, #tpu.memory_space<vmem_shared>> -> memref<640x128xf32, #tpu.memory_space<vmem_shared>>
      tpu.enqueue_dma source(%dma_start3A_28 : memref<640x128xf32, #tpu.memory_space<vmem_shared>>) target(%dma_start3A_26 : memref<640x128xf32, #tpu.memory_space<hbm>>) target_semaphore(%run_scoped3A : memref<!tpu.dma_semaphore, #tpu.memory_space<semaphore_mem>>)
      %dma_wait3A = arith.constant 0 : i32
      %dma_wait3A_29 = tpu.memref_slice %arg5[%arg0, %mul3A_0, %dma_wait3A] : memref<2x10240x128xf32, #tpu.memory_space<hbm>> -> memref<1x640x128xf32, #tpu.memory_space<hbm>>
      %dma_wait3A_30 = tpu.memref_squeeze %dma_wait3A_29 : memref<1x640x128xf32, #tpu.memory_space<hbm>> -> memref<640x128xf32, #tpu.memory_space<hbm>>
      %dma_wait3A_31 = arith.constant 0 : i32
      %dma_wait3A_32 = tpu.memref_slice %arg10[%mul3A_0, %dma_wait3A_31] : memref<10240x128xf32, #tpu.memory_space<vmem_shared>> -> memref<640x128xf32, #tpu.memory_space<vmem_shared>>
      tpu.wait_dma2 semaphore(%run_scoped3A : memref<!tpu.dma_semaphore, #tpu.memory_space<semaphore_mem>>) src(%dma_wait3A_32 : memref<640x128xf32, #tpu.memory_space<vmem_shared>>) dst(%dma_wait3A_30 : memref<640x128xf32, #tpu.memory_space<hbm>>)
      tpu.yield
    }) : () -> ()
    return
  }
}

#map = affine_map<(d0, d1) -> (0, 0, 0, 0, 0)>
#map1 = affine_map<(d0, d1) -> (0, 0, 0)>
module attributes {stable_mosaic.version = 14 : i64} {
  func.func @_sc_deg_body(%arg0: i32, %arg1: i32, %arg2: memref<2x16x5x8x128xi32, #tpu.memory_space<hbm>>, %arg3: memref<2x10240x128xf32, #tpu.memory_space<hbm>>, %arg4: memref<8x128xi32, #tpu.memory_space<vmem>>, %arg5: memref<128x128xf32, #tpu.memory_space<vmem>>, %arg6: memref<10240x128xf32, #tpu.memory_space<vmem_shared>>, %arg7: memref<!tpu.dma_semaphore, #tpu.memory_space<semaphore_mem>>) attributes {dimension_semantics = [#tpu.dimension_semantics<core_parallel>, #tpu.dimension_semantics<subcore_parallel>], iteration_bounds = array<i64: 2, 16>, scalar_prefetch = 0 : i64, scratch_operands = 4 : i64, tpu.core_type = #tpu.core_type<sc_vector_subcore>, window_params = [{transform_indices = #map}, {transform_indices = #map1}]} {
    %mul3A = arith.constant 640 : i32
    %mul3A_0 = arith.muli %arg1, %mul3A : i32
    %broadcast_in_dim3A = arith.constant 0.000000e+00 : f32
    %broadcast_in_dim3A_1 = vector.broadcast %broadcast_in_dim3A : f32 to vector<16xf32>
    %scan3A = arith.constant 0 : i32
    %scan3A_2 = arith.constant 0 : i32
    %scan3A_3 = arith.constant 1024 : i32
    %scan3A_4 = arith.addi %scan3A_2, %scan3A_3 : i32
    %scan3A_5 = arith.constant 1 : i32
    %scan3A_6 = scf.for %scan3A_34 = %scan3A_2 to %scan3A_4 step %scan3A_5 iter_args(%scan3A_35 = %scan3A) -> (i32)  : i32 {
      %jit3A = arith.constant 8 : i32
      %div3A = arith.divsi %scan3A_34, %jit3A : i32
      %sign3A = arith.constant 0 : i32
      %sign3A_36 = arith.cmpi sgt, %scan3A_34, %sign3A : i32
      %sign3A_37 = arith.extui %sign3A_36 : i1 to i32
      %sign3A_38 = arith.constant 0 : i32
      %sign3A_39 = arith.cmpi slt, %scan3A_34, %sign3A_38 : i32
      %sign3A_40 = arith.extui %sign3A_39 : i1 to i32
      %sign3A_41 = arith.subi %sign3A_37, %sign3A_40 : i32
      %sign3A_42 = arith.constant 0 : i32
      %sign3A_43 = arith.cmpi sgt, %jit3A, %sign3A_42 : i32
      %sign3A_44 = arith.extui %sign3A_43 : i1 to i32
      %sign3A_45 = arith.constant 0 : i32
      %sign3A_46 = arith.cmpi slt, %jit3A, %sign3A_45 : i32
      %sign3A_47 = arith.extui %sign3A_46 : i1 to i32
      %sign3A_48 = arith.subi %sign3A_44, %sign3A_47 : i32
      %ne3A = arith.cmpi ne, %sign3A_41, %sign3A_48 : i32
      %rem3A = arith.remsi %scan3A_34, %jit3A : i32
      %ne3A_49 = arith.constant 0 : i32
      %ne3A_50 = arith.cmpi ne, %rem3A, %ne3A_49 : i32
      %and3A = arith.andi %ne3A, %ne3A_50 : i1
      %sub3A = arith.constant 1 : i32
      %sub3A_51 = arith.subi %div3A, %sub3A : i32
      %select_n3A = arith.select %and3A, %sub3A_51, %div3A : i32
      %mul3A_52 = arith.constant 8 : i32
      %mul3A_53 = arith.muli %select_n3A, %mul3A_52 : i32
      %sub3A_54 = arith.subi %scan3A_34, %mul3A_53 : i32
      %mul3A_55 = arith.constant 16 : i32
      %mul3A_56 = arith.muli %sub3A_54, %mul3A_55 : i32
      %swap3A = arith.index_cast %select_n3A : i32 to index
      %swap3A_57 = arith.index_cast %mul3A_56 : i32 to index
      %swap3A_58 = tpu.vector_load %arg5[%swap3A, %swap3A_57] {strides = array<i32>} : memref<128x128xf32, #tpu.memory_space<vmem>>, vector<1x16xf32>,
      %swap3A_59 = vector.shape_cast %swap3A_58 : vector<1x16xf32> to vector<16xf32>
      %swap3A_60 = vector.shape_cast %broadcast_in_dim3A_1 : vector<16xf32> to vector<1x16xf32>
      tpu.vector_store %arg5[%swap3A, %swap3A_57], %swap3A_60 {strides = array<i32>} : memref<128x128xf32, #tpu.memory_space<vmem>>, vector<1x16xf32>,
      %scan3A_61 = arith.constant 0 : i32
      scf.yield %scan3A_61 : i32
    }
    %scan3A_7 = arith.constant 1024 : i32
    %add3A = arith.constant 0 : i32
    %add3A_8 = arith.addi %mul3A_0, %add3A : i32
    "tpu.region"() ({
      %run_scoped3A = tpu.sem_alloc : memref<!tpu.dma_semaphore, #tpu.memory_space<semaphore_mem>>
      %dma_start3A = arith.constant 0 : i32
      %dma_start3A_34 = tpu.memref_slice %arg6[%add3A_8, %dma_start3A] : memref<10240x128xf32, #tpu.memory_space<vmem_shared>> -> memref<128x128xf32, #tpu.memory_space<vmem_shared>>
      %dma_start3A_35 = arith.constant 0 : i32
      %dma_start3A_36 = tpu.memref_slice %arg6[%add3A_8, %dma_start3A_35] : memref<10240x128xf32, #tpu.memory_space<vmem_shared>> -> memref<128x128xf32, #tpu.memory_space<vmem_shared>>
      tpu.enqueue_dma source(%arg5 : memref<128x128xf32, #tpu.memory_space<vmem>>) target(%dma_start3A_36 : memref<128x128xf32, #tpu.memory_space<vmem_shared>>) target_semaphore(%run_scoped3A : memref<!tpu.dma_semaphore, #tpu.memory_space<semaphore_mem>>)
      %dma_wait3A = arith.constant 0 : i32
      %dma_wait3A_37 = tpu.memref_slice %arg6[%add3A_8, %dma_wait3A] : memref<10240x128xf32, #tpu.memory_space<vmem_shared>> -> memref<128x128xf32, #tpu.memory_space<vmem_shared>>
      %dma_wait3A_38 = arith.constant 0 : i32
      %dma_wait3A_39 = tpu.memref_slice %arg6[%add3A_8, %dma_wait3A_38] : memref<10240x128xf32, #tpu.memory_space<vmem_shared>> -> memref<128x128xf32, #tpu.memory_space<vmem_shared>>
      tpu.wait_dma2 semaphore(%run_scoped3A : memref<!tpu.dma_semaphore, #tpu.memory_space<semaphore_mem>>) src(%arg5 : memref<128x128xf32, #tpu.memory_space<vmem>>) dst(%dma_wait3A_39 : memref<128x128xf32, #tpu.memory_space<vmem_shared>>)
      tpu.yield
    }) : () -> ()
    %add3A_9 = arith.constant 128 : i32
    %add3A_10 = arith.addi %mul3A_0, %add3A_9 : i32
    "tpu.region"() ({
      %run_scoped3A = tpu.sem_alloc : memref<!tpu.dma_semaphore, #tpu.memory_space<semaphore_mem>>
      %dma_start3A = arith.constant 0 : i32
      %dma_start3A_34 = tpu.memref_slice %arg6[%add3A_10, %dma_start3A] : memref<10240x128xf32, #tpu.memory_space<vmem_shared>> -> memref<128x128xf32, #tpu.memory_space<vmem_shared>>
      %dma_start3A_35 = arith.constant 0 : i32
      %dma_start3A_36 = tpu.memref_slice %arg6[%add3A_10, %dma_start3A_35] : memref<10240x128xf32, #tpu.memory_space<vmem_shared>> -> memref<128x128xf32, #tpu.memory_space<vmem_shared>>
      tpu.enqueue_dma source(%arg5 : memref<128x128xf32, #tpu.memory_space<vmem>>) target(%dma_start3A_36 : memref<128x128xf32, #tpu.memory_space<vmem_shared>>) target_semaphore(%run_scoped3A : memref<!tpu.dma_semaphore, #tpu.memory_space<semaphore_mem>>)
      %dma_wait3A = arith.constant 0 : i32
      %dma_wait3A_37 = tpu.memref_slice %arg6[%add3A_10, %dma_wait3A] : memref<10240x128xf32, #tpu.memory_space<vmem_shared>> -> memref<128x128xf32, #tpu.memory_space<vmem_shared>>
      %dma_wait3A_38 = arith.constant 0 : i32
      %dma_wait3A_39 = tpu.memref_slice %arg6[%add3A_10, %dma_wait3A_38] : memref<10240x128xf32, #tpu.memory_space<vmem_shared>> -> memref<128x128xf32, #tpu.memory_space<vmem_shared>>
      tpu.wait_dma2 semaphore(%run_scoped3A : memref<!tpu.dma_semaphore, #tpu.memory_space<semaphore_mem>>) src(%arg5 : memref<128x128xf32, #tpu.memory_space<vmem>>) dst(%dma_wait3A_39 : memref<128x128xf32, #tpu.memory_space<vmem_shared>>)
      tpu.yield
    }) : () -> ()
    %add3A_11 = arith.constant 256 : i32
    %add3A_12 = arith.addi %mul3A_0, %add3A_11 : i32
    "tpu.region"() ({
      %run_scoped3A = tpu.sem_alloc : memref<!tpu.dma_semaphore, #tpu.memory_space<semaphore_mem>>
      %dma_start3A = arith.constant 0 : i32
      %dma_start3A_34 = tpu.memref_slice %arg6[%add3A_12, %dma_start3A] : memref<10240x128xf32, #tpu.memory_space<vmem_shared>> -> memref<128x128xf32, #tpu.memory_space<vmem_shared>>
      %dma_start3A_35 = arith.constant 0 : i32
      %dma_start3A_36 = tpu.memref_slice %arg6[%add3A_12, %dma_start3A_35] : memref<10240x128xf32, #tpu.memory_space<vmem_shared>> -> memref<128x128xf32, #tpu.memory_space<vmem_shared>>
      tpu.enqueue_dma source(%arg5 : memref<128x128xf32, #tpu.memory_space<vmem>>) target(%dma_start3A_36 : memref<128x128xf32, #tpu.memory_space<vmem_shared>>) target_semaphore(%run_scoped3A : memref<!tpu.dma_semaphore, #tpu.memory_space<semaphore_mem>>)
      %dma_wait3A = arith.constant 0 : i32
      %dma_wait3A_37 = tpu.memref_slice %arg6[%add3A_12, %dma_wait3A] : memref<10240x128xf32, #tpu.memory_space<vmem_shared>> -> memref<128x128xf32, #tpu.memory_space<vmem_shared>>
      %dma_wait3A_38 = arith.constant 0 : i32
      %dma_wait3A_39 = tpu.memref_slice %arg6[%add3A_12, %dma_wait3A_38] : memref<10240x128xf32, #tpu.memory_space<vmem_shared>> -> memref<128x128xf32, #tpu.memory_space<vmem_shared>>
      tpu.wait_dma2 semaphore(%run_scoped3A : memref<!tpu.dma_semaphore, #tpu.memory_space<semaphore_mem>>) src(%arg5 : memref<128x128xf32, #tpu.memory_space<vmem>>) dst(%dma_wait3A_39 : memref<128x128xf32, #tpu.memory_space<vmem_shared>>)
      tpu.yield
    }) : () -> ()
    %add3A_13 = arith.constant 384 : i32
    %add3A_14 = arith.addi %mul3A_0, %add3A_13 : i32
    "tpu.region"() ({
      %run_scoped3A = tpu.sem_alloc : memref<!tpu.dma_semaphore, #tpu.memory_space<semaphore_mem>>
      %dma_start3A = arith.constant 0 : i32
      %dma_start3A_34 = tpu.memref_slice %arg6[%add3A_14, %dma_start3A] : memref<10240x128xf32, #tpu.memory_space<vmem_shared>> -> memref<128x128xf32, #tpu.memory_space<vmem_shared>>
      %dma_start3A_35 = arith.constant 0 : i32
      %dma_start3A_36 = tpu.memref_slice %arg6[%add3A_14, %dma_start3A_35] : memref<10240x128xf32, #tpu.memory_space<vmem_shared>> -> memref<128x128xf32, #tpu.memory_space<vmem_shared>>
      tpu.enqueue_dma source(%arg5 : memref<128x128xf32, #tpu.memory_space<vmem>>) target(%dma_start3A_36 : memref<128x128xf32, #tpu.memory_space<vmem_shared>>) target_semaphore(%run_scoped3A : memref<!tpu.dma_semaphore, #tpu.memory_space<semaphore_mem>>)
      %dma_wait3A = arith.constant 0 : i32
      %dma_wait3A_37 = tpu.memref_slice %arg6[%add3A_14, %dma_wait3A] : memref<10240x128xf32, #tpu.memory_space<vmem_shared>> -> memref<128x128xf32, #tpu.memory_space<vmem_shared>>
      %dma_wait3A_38 = arith.constant 0 : i32
      %dma_wait3A_39 = tpu.memref_slice %arg6[%add3A_14, %dma_wait3A_38] : memref<10240x128xf32, #tpu.memory_space<vmem_shared>> -> memref<128x128xf32, #tpu.memory_space<vmem_shared>>
      tpu.wait_dma2 semaphore(%run_scoped3A : memref<!tpu.dma_semaphore, #tpu.memory_space<semaphore_mem>>) src(%arg5 : memref<128x128xf32, #tpu.memory_space<vmem>>) dst(%dma_wait3A_39 : memref<128x128xf32, #tpu.memory_space<vmem_shared>>)
      tpu.yield
    }) : () -> ()
    %add3A_15 = arith.constant 512 : i32
    %add3A_16 = arith.addi %mul3A_0, %add3A_15 : i32
    "tpu.region"() ({
      %run_scoped3A = tpu.sem_alloc : memref<!tpu.dma_semaphore, #tpu.memory_space<semaphore_mem>>
      %dma_start3A = arith.constant 0 : i32
      %dma_start3A_34 = tpu.memref_slice %arg6[%add3A_16, %dma_start3A] : memref<10240x128xf32, #tpu.memory_space<vmem_shared>> -> memref<128x128xf32, #tpu.memory_space<vmem_shared>>
      %dma_start3A_35 = arith.constant 0 : i32
      %dma_start3A_36 = tpu.memref_slice %arg6[%add3A_16, %dma_start3A_35] : memref<10240x128xf32, #tpu.memory_space<vmem_shared>> -> memref<128x128xf32, #tpu.memory_space<vmem_shared>>
      tpu.enqueue_dma source(%arg5 : memref<128x128xf32, #tpu.memory_space<vmem>>) target(%dma_start3A_36 : memref<128x128xf32, #tpu.memory_space<vmem_shared>>) target_semaphore(%run_scoped3A : memref<!tpu.dma_semaphore, #tpu.memory_space<semaphore_mem>>)
      %dma_wait3A = arith.constant 0 : i32
      %dma_wait3A_37 = tpu.memref_slice %arg6[%add3A_16, %dma_wait3A] : memref<10240x128xf32, #tpu.memory_space<vmem_shared>> -> memref<128x128xf32, #tpu.memory_space<vmem_shared>>
      %dma_wait3A_38 = arith.constant 0 : i32
      %dma_wait3A_39 = tpu.memref_slice %arg6[%add3A_16, %dma_wait3A_38] : memref<10240x128xf32, #tpu.memory_space<vmem_shared>> -> memref<128x128xf32, #tpu.memory_space<vmem_shared>>
      tpu.wait_dma2 semaphore(%run_scoped3A : memref<!tpu.dma_semaphore, #tpu.memory_space<semaphore_mem>>) src(%arg5 : memref<128x128xf32, #tpu.memory_space<vmem>>) dst(%dma_wait3A_39 : memref<128x128xf32, #tpu.memory_space<vmem_shared>>)
      tpu.yield
    }) : () -> ()
    %broadcast_in_dim3A_17 = arith.constant 1.000000e+00 : f32
    %broadcast_in_dim3A_18 = vector.broadcast %broadcast_in_dim3A_17 : f32 to vector<16xf32>
    %scan3A_19 = arith.constant 0 : i32
    %scan3A_20 = arith.constant 0 : i32
    %scan3A_21 = arith.constant 1024 : i32
    %scan3A_22 = arith.addi %scan3A_20, %scan3A_21 : i32
    %scan3A_23 = arith.constant 1 : i32
    %scan3A_24 = scf.for %scan3A_34 = %scan3A_20 to %scan3A_22 step %scan3A_23 iter_args(%scan3A_35 = %scan3A_19) -> (i32)  : i32 {
      %jit3A = arith.constant 8 : i32
      %div3A = arith.divsi %scan3A_34, %jit3A : i32
      %sign3A = arith.constant 0 : i32
      %sign3A_36 = arith.cmpi sgt, %scan3A_34, %sign3A : i32
      %sign3A_37 = arith.extui %sign3A_36 : i1 to i32
      %sign3A_38 = arith.constant 0 : i32
      %sign3A_39 = arith.cmpi slt, %scan3A_34, %sign3A_38 : i32
      %sign3A_40 = arith.extui %sign3A_39 : i1 to i32
      %sign3A_41 = arith.subi %sign3A_37, %sign3A_40 : i32
      %sign3A_42 = arith.constant 0 : i32
      %sign3A_43 = arith.cmpi sgt, %jit3A, %sign3A_42 : i32
      %sign3A_44 = arith.extui %sign3A_43 : i1 to i32
      %sign3A_45 = arith.constant 0 : i32
      %sign3A_46 = arith.cmpi slt, %jit3A, %sign3A_45 : i32
      %sign3A_47 = arith.extui %sign3A_46 : i1 to i32
      %sign3A_48 = arith.subi %sign3A_44, %sign3A_47 : i32
      %ne3A = arith.cmpi ne, %sign3A_41, %sign3A_48 : i32
      %rem3A = arith.remsi %scan3A_34, %jit3A : i32
      %ne3A_49 = arith.constant 0 : i32
      %ne3A_50 = arith.cmpi ne, %rem3A, %ne3A_49 : i32
      %and3A = arith.andi %ne3A, %ne3A_50 : i1
      %sub3A = arith.constant 1 : i32
      %sub3A_51 = arith.subi %div3A, %sub3A : i32
      %select_n3A = arith.select %and3A, %sub3A_51, %div3A : i32
      %mul3A_52 = arith.constant 8 : i32
      %mul3A_53 = arith.muli %select_n3A, %mul3A_52 : i32
      %sub3A_54 = arith.subi %scan3A_34, %mul3A_53 : i32
      %mul3A_55 = arith.constant 16 : i32
      %mul3A_56 = arith.muli %sub3A_54, %mul3A_55 : i32
      %swap3A = arith.index_cast %select_n3A : i32 to index
      %swap3A_57 = arith.index_cast %mul3A_56 : i32 to index
      %swap3A_58 = tpu.vector_load %arg5[%swap3A, %swap3A_57] {strides = array<i32>} : memref<128x128xf32, #tpu.memory_space<vmem>>, vector<1x16xf32>,
      %swap3A_59 = vector.shape_cast %swap3A_58 : vector<1x16xf32> to vector<16xf32>
      %swap3A_60 = vector.shape_cast %broadcast_in_dim3A_18 : vector<16xf32> to vector<1x16xf32>
      tpu.vector_store %arg5[%swap3A, %swap3A_57], %swap3A_60 {strides = array<i32>} : memref<128x128xf32, #tpu.memory_space<vmem>>, vector<1x16xf32>,
      %scan3A_61 = arith.constant 0 : i32
      scf.yield %scan3A_61 : i32
    }
    %scan3A_25 = arith.constant 1024 : i32
    %barrier3A = arith.constant 0 : index
    tpu.barrier barrier_id(%barrier3A)
    %scan3A_26 = arith.constant 0 : i32
    %scan3A_27 = arith.constant 0 : i32
    %scan3A_28 = arith.constant 5 : i32
    %scan3A_29 = arith.addi %scan3A_27, %scan3A_28 : i32
    %scan3A_30 = arith.constant 1 : i32
    %scan3A_31 = scf.for %scan3A_34 = %scan3A_27 to %scan3A_29 step %scan3A_30 iter_args(%scan3A_35 = %scan3A_26) -> (i32)  : i32 {
      "tpu.region"() ({
        %run_scoped3A = tpu.sem_alloc : memref<!tpu.dma_semaphore, #tpu.memory_space<semaphore_mem>>
        %dma_start3A = arith.constant 0 : i32
        %dma_start3A_44 = arith.constant 0 : i32
        %dma_start3A_45 = tpu.memref_slice %arg2[%arg0, %arg1, %scan3A_34, %dma_start3A, %dma_start3A_44] : memref<2x16x5x8x128xi32, #tpu.memory_space<hbm>> -> memref<1x1x1x8x128xi32, #tpu.memory_space<hbm>>
        %dma_start3A_46 = tpu.memref_squeeze %dma_start3A_45 : memref<1x1x1x8x128xi32, #tpu.memory_space<hbm>> -> memref<8x128xi32, #tpu.memory_space<hbm>>
        %dma_start3A_47 = arith.constant 0 : i32
        %dma_start3A_48 = arith.constant 0 : i32
        %dma_start3A_49 = tpu.memref_slice %arg2[%arg0, %arg1, %scan3A_34, %dma_start3A_47, %dma_start3A_48] : memref<2x16x5x8x128xi32, #tpu.memory_space<hbm>> -> memref<1x1x1x8x128xi32, #tpu.memory_space<hbm>>
        %dma_start3A_50 = tpu.memref_squeeze %dma_start3A_49 : memref<1x1x1x8x128xi32, #tpu.memory_space<hbm>> -> memref<8x128xi32, #tpu.memory_space<hbm>>
        tpu.enqueue_dma source(%dma_start3A_50 : memref<8x128xi32, #tpu.memory_space<hbm>>) target(%arg4 : memref<8x128xi32, #tpu.memory_space<vmem>>) target_semaphore(%run_scoped3A : memref<!tpu.dma_semaphore, #tpu.memory_space<semaphore_mem>>)
        %dma_wait3A = arith.constant 0 : i32
        %dma_wait3A_51 = arith.constant 0 : i32
        %dma_wait3A_52 = tpu.memref_slice %arg2[%arg0, %arg1, %scan3A_34, %dma_wait3A, %dma_wait3A_51] : memref<2x16x5x8x128xi32, #tpu.memory_space<hbm>> -> memref<1x1x1x8x128xi32, #tpu.memory_space<hbm>>
        %dma_wait3A_53 = tpu.memref_squeeze %dma_wait3A_52 : memref<1x1x1x8x128xi32, #tpu.memory_space<hbm>> -> memref<8x128xi32, #tpu.memory_space<hbm>>
        %dma_wait3A_54 = arith.constant 0 : i32
        %dma_wait3A_55 = arith.constant 0 : i32
        %dma_wait3A_56 = tpu.memref_slice %arg2[%arg0, %arg1, %scan3A_34, %dma_wait3A_54, %dma_wait3A_55] : memref<2x16x5x8x128xi32, #tpu.memory_space<hbm>> -> memref<1x1x1x8x128xi32, #tpu.memory_space<hbm>>
        %dma_wait3A_57 = tpu.memref_squeeze %dma_wait3A_56 : memref<1x1x1x8x128xi32, #tpu.memory_space<hbm>> -> memref<8x128xi32, #tpu.memory_space<hbm>>
        tpu.wait_dma2 semaphore(%run_scoped3A : memref<!tpu.dma_semaphore, #tpu.memory_space<semaphore_mem>>) src(%dma_wait3A_57 : memref<8x128xi32, #tpu.memory_space<hbm>>) dst(%arg4 : memref<8x128xi32, #tpu.memory_space<vmem>>)
        tpu.yield
      }) : () -> ()
      %scan3A_36 = arith.constant 0 : i32
      %scan3A_37 = arith.constant 0 : i32
      %scan3A_38 = arith.constant 8 : i32
      %scan3A_39 = arith.addi %scan3A_37, %scan3A_38 : i32
      %scan3A_40 = arith.constant 1 : i32
      %scan3A_41 = scf.for %scan3A_44 = %scan3A_37 to %scan3A_39 step %scan3A_40 iter_args(%scan3A_45 = %scan3A_36) -> (i32)  : i32 {
        "tpu.region"() ({
          %run_scoped3A = tpu.sem_alloc : memref<!tpu.dma_semaphore, #tpu.memory_space<semaphore_mem>>
          %dma_start3A = arith.constant 0 : i32
          %dma_start3A_47 = tpu.memref_slice %arg4[%scan3A_44, %dma_start3A] : memref<8x128xi32, #tpu.memory_space<vmem>> -> memref<1x128xi32, #tpu.memory_space<vmem>>
          %dma_start3A_48 = tpu.memref_squeeze %dma_start3A_47 : memref<1x128xi32, #tpu.memory_space<vmem>> -> memref<128xi32, #tpu.memory_space<vmem>>
          %dma_start3A_49 = arith.constant 0 : i32
          %dma_start3A_50 = arith.constant 0 : i32
          %dma_start3A_51 = tpu.memref_slice %arg6[%dma_start3A_49, %dma_start3A_50] : memref<10240x128xf32, #tpu.memory_space<vmem_shared>> -> memref<10240x128xf32, #tpu.memory_space<vmem_shared>>
          tpu.enqueue_indirect_dma source(%arg5 : memref<128x128xf32, #tpu.memory_space<vmem>>) target(%dma_start3A_51 : memref<10240x128xf32, #tpu.memory_space<vmem_shared>>) offsets(%dma_start3A_48 : memref<128xi32, #tpu.memory_space<vmem>>) semaphore(%run_scoped3A : memref<!tpu.dma_semaphore, #tpu.memory_space<semaphore_mem>>) {add = true}
          %dma_wait3A = arith.constant 0 : i32
          %dma_wait3A_52 = tpu.memref_slice %arg4[%scan3A_44, %dma_wait3A] : memref<8x128xi32, #tpu.memory_space<vmem>> -> memref<1x128xi32, #tpu.memory_space<vmem>>
          %dma_wait3A_53 = tpu.memref_squeeze %dma_wait3A_52 : memref<1x128xi32, #tpu.memory_space<vmem>> -> memref<128xi32, #tpu.memory_space<vmem>>
          %dma_wait3A_54 = arith.constant 0 : i32
          %dma_wait3A_55 = arith.constant 0 : i32
          %dma_wait3A_56 = tpu.memref_slice %arg6[%dma_wait3A_54, %dma_wait3A_55] : memref<10240x128xf32, #tpu.memory_space<vmem_shared>> -> memref<10240x128xf32, #tpu.memory_space<vmem_shared>>
          tpu.wait_indirect_dma semaphore(%run_scoped3A : memref<!tpu.dma_semaphore, #tpu.memory_space<semaphore_mem>>) src(%arg5 : memref<128x128xf32, #tpu.memory_space<vmem>>) dst(%dma_wait3A_56 : memref<10240x128xf32, #tpu.memory_space<vmem_shared>>)
          tpu.yield
        }) : () -> ()
        %scan3A_46 = arith.constant 0 : i32
        scf.yield %scan3A_46 : i32
      }
      %scan3A_42 = arith.constant 8 : i32
      %scan3A_43 = arith.constant 0 : i32
      scf.yield %scan3A_43 : i32
    }
    %scan3A_32 = arith.constant 5 : i32
    %barrier3A_33 = arith.constant 0 : index
    tpu.barrier barrier_id(%barrier3A_33)
    "tpu.region"() ({
      %run_scoped3A = tpu.sem_alloc : memref<!tpu.dma_semaphore, #tpu.memory_space<semaphore_mem>>
      %dma_start3A = arith.constant 0 : i32
      %dma_start3A_34 = tpu.memref_slice %arg3[%arg0, %mul3A_0, %dma_start3A] : memref<2x10240x128xf32, #tpu.memory_space<hbm>> -> memref<1x640x128xf32, #tpu.memory_space<hbm>>
      %dma_start3A_35 = tpu.memref_squeeze %dma_start3A_34 : memref<1x640x128xf32, #tpu.memory_space<hbm>> -> memref<640x128xf32, #tpu.memory_space<hbm>>
      %dma_start3A_36 = arith.constant 0 : i32
      %dma_start3A_37 = tpu.memref_slice %arg6[%mul3A_0, %dma_start3A_36] : memref<10240x128xf32, #tpu.memory_space<vmem_shared>> -> memref<640x128xf32, #tpu.memory_space<vmem_shared>>
      tpu.enqueue_dma source(%dma_start3A_37 : memref<640x128xf32, #tpu.memory_space<vmem_shared>>) target(%dma_start3A_35 : memref<640x128xf32, #tpu.memory_space<hbm>>) target_semaphore(%run_scoped3A : memref<!tpu.dma_semaphore, #tpu.memory_space<semaphore_mem>>)
      %dma_wait3A = arith.constant 0 : i32
      %dma_wait3A_38 = tpu.memref_slice %arg3[%arg0, %mul3A_0, %dma_wait3A] : memref<2x10240x128xf32, #tpu.memory_space<hbm>> -> memref<1x640x128xf32, #tpu.memory_space<hbm>>
      %dma_wait3A_39 = tpu.memref_squeeze %dma_wait3A_38 : memref<1x640x128xf32, #tpu.memory_space<hbm>> -> memref<640x128xf32, #tpu.memory_space<hbm>>
      %dma_wait3A_40 = arith.constant 0 : i32
      %dma_wait3A_41 = tpu.memref_slice %arg6[%mul3A_0, %dma_wait3A_40] : memref<10240x128xf32, #tpu.memory_space<vmem_shared>> -> memref<640x128xf32, #tpu.memory_space<vmem_shared>>
      tpu.wait_dma2 semaphore(%run_scoped3A : memref<!tpu.dma_semaphore, #tpu.memory_space<semaphore_mem>>) src(%dma_wait3A_41 : memref<640x128xf32, #tpu.memory_space<vmem_shared>>) dst(%dma_wait3A_39 : memref<640x128xf32, #tpu.memory_space<hbm>>)
      tpu.yield
    }) : () -> ()
    return
  }
}

module attributes {stable_mosaic.version = 14 : i64} {
  func.func @_tc0_body(%arg0: i32, %arg1: memref<400x256xf32, #tpu.memory_space<vmem>>, %arg2: memref<2x400x128xf32, #tpu.memory_space<vmem>>, %arg3: memref<2x400x128xf32, #tpu.memory_space<vmem>>, %arg4: memref<256x256xf32, #tpu.memory_space<vmem>>, %arg5: memref<256x256xf32, #tpu.memory_space<vmem>>, %arg6: memref<1x256xf32, #tpu.memory_space<vmem>>, %arg7: memref<2x400x128xf32, #tpu.memory_space<vmem>>) attributes {dimension_semantics = [#tpu.dimension_semantics<arbitrary>], iteration_bounds = array<i64: 25>, scalar_prefetch = 0 : i64, scratch_operands = 0 : i64, tpu.core_type = #tpu.core_type<tc>, window_params = [{transform_indices = @transform_0, window_bounds = array<i64: 400, 256>}, {transform_indices = @transform_1, window_bounds = array<i64: 2, 400, 128>}, {transform_indices = @transform_2, window_bounds = array<i64: 2, 400, 128>}, {pipeline_mode = #tpu.pipeline_mode<synchronous>, transform_indices = @transform_3, window_bounds = array<i64: 256, 256>}, {pipeline_mode = #tpu.pipeline_mode<synchronous>, transform_indices = @transform_4, window_bounds = array<i64: 256, 256>}, {pipeline_mode = #tpu.pipeline_mode<synchronous>, transform_indices = @transform_5, window_bounds = array<i64: 1, 256>}, {transform_indices = @transform_6, window_bounds = array<i64: 2, 400, 128>}]} {
    %get3A = arith.constant 0 : index
    %get3A_0 = arith.constant 0 : index
    %get3A_1 = vector.load %arg1[%get3A, %get3A_0] : memref<400x256xf32, #tpu.memory_space<vmem>>, vector<400x256xf32>
    %get3A_2 = arith.constant 0 : index
    %get3A_3 = arith.constant 0 : index
    %get3A_4 = vector.load %arg4[%get3A_2, %get3A_3] : memref<256x256xf32, #tpu.memory_space<vmem>>, vector<256x256xf32>
    %dot_general3A = arith.constant dense<0.000000e+00> : vector<400x256xf32>
    %dot_general3A_5 = tpu.matmul %get3A_1, %get3A_4, %dot_general3A {dimension_numbers = #tpu.dot_dimension_numbers<[1], [0], [0], [1], [0, 0, 1, 1], [], []>, transpose_lhs_hint = false} : vector<400x256xf32>, vector<256x256xf32>, vector<400x256xf32> -> vector<400x256xf32>
    %get3A_6 = arith.constant 0 : index
    %get3A_7 = arith.constant 0 : index
    %get3A_8 = arith.constant 0 : index
    %get3A_9 = vector.load %arg3[%get3A_6, %get3A_7, %get3A_8] : memref<2x400x128xf32, #tpu.memory_space<vmem>>, vector<1x400x128xf32>
    %get3A_10 = vector.shape_cast %get3A_9 : vector<1x400x128xf32> to vector<400x128xf32>
    %slice3A = vector.extract_strided_slice %get3A_10 {offsets = [0, 0], sizes = [400, 1], strides = [1, 1]} : vector<400x128xf32> to vector<400x1xf32>
    %get3A_11 = arith.constant 1 : index
    %get3A_12 = arith.constant 0 : index
    %get3A_13 = arith.constant 0 : index
    %get3A_14 = vector.load %arg3[%get3A_11, %get3A_12, %get3A_13] : memref<2x400x128xf32, #tpu.memory_space<vmem>>, vector<1x400x128xf32>
    %get3A_15 = vector.shape_cast %get3A_14 : vector<1x400x128xf32> to vector<400x128xf32>
    %slice3A_16 = vector.extract_strided_slice %get3A_15 {offsets = [0, 0], sizes = [400, 1], strides = [1, 1]} : vector<400x128xf32> to vector<400x1xf32>
    %add3A = arith.addf %slice3A, %slice3A_16 : vector<400x1xf32>
    %max3A = arith.constant 1.000000e+00 : f32
    %max3A_17 = vector.broadcast %max3A : f32 to vector<400x1xf32>
    %max3A_18 = arith.maximumf %add3A, %max3A_17 : vector<400x1xf32>
    %div3A = arith.constant 1.000000e+00 : f32
    %div3A_19 = vector.broadcast %div3A : f32 to vector<400x1xf32>
    %div3A_20 = arith.divf %div3A_19, %max3A_18 : vector<400x1xf32>
    %get3A_21 = arith.constant 0 : index
    %get3A_22 = arith.constant 0 : index
    %get3A_23 = arith.constant 0 : index
    %get3A_24 = vector.load %arg2[%get3A_21, %get3A_22, %get3A_23] : memref<2x400x128xf32, #tpu.memory_space<vmem>>, vector<1x400x128xf32>
    %get3A_25 = vector.shape_cast %get3A_24 : vector<1x400x128xf32> to vector<400x128xf32>
    %mul3A = vector.broadcast %div3A_20 : vector<400x1xf32> to vector<400x128xf32>
    %mul3A_26 = arith.mulf %get3A_25, %mul3A : vector<400x128xf32>
    %get3A_27 = arith.constant 0 : index
    %get3A_28 = arith.constant 0 : index
    %get3A_29 = vector.load %arg5[%get3A_27, %get3A_28] : memref<256x256xf32, #tpu.memory_space<vmem>>, vector<128x256xf32>
    %dot_general3A_30 = arith.constant dense<0.000000e+00> : vector<400x256xf32>
    %dot_general3A_31 = tpu.matmul %mul3A_26, %get3A_29, %dot_general3A_30 {dimension_numbers = #tpu.dot_dimension_numbers<[1], [0], [0], [1], [0, 0, 1, 1], [], []>, transpose_lhs_hint = false} : vector<400x128xf32>, vector<128x256xf32>, vector<400x256xf32> -> vector<400x256xf32>
    %add3A_32 = arith.addf %dot_general3A_5, %dot_general3A_31 : vector<400x256xf32>
    %get3A_33 = arith.constant 1 : index
    %get3A_34 = arith.constant 0 : index
    %get3A_35 = arith.constant 0 : index
    %get3A_36 = vector.load %arg2[%get3A_33, %get3A_34, %get3A_35] : memref<2x400x128xf32, #tpu.memory_space<vmem>>, vector<1x400x128xf32>
    %get3A_37 = vector.shape_cast %get3A_36 : vector<1x400x128xf32> to vector<400x128xf32>
    %mul3A_38 = vector.broadcast %div3A_20 : vector<400x1xf32> to vector<400x128xf32>
    %mul3A_39 = arith.mulf %get3A_37, %mul3A_38 : vector<400x128xf32>
    %get3A_40 = arith.constant 128 : index
    %get3A_41 = arith.constant 0 : index
    %get3A_42 = vector.load %arg5[%get3A_40, %get3A_41] : memref<256x256xf32, #tpu.memory_space<vmem>>, vector<128x256xf32>
    %dot_general3A_43 = arith.constant dense<0.000000e+00> : vector<400x256xf32>
    %dot_general3A_44 = tpu.matmul %mul3A_39, %get3A_42, %dot_general3A_43 {dimension_numbers = #tpu.dot_dimension_numbers<[1], [0], [0], [1], [0, 0, 1, 1], [], []>, transpose_lhs_hint = false} : vector<400x128xf32>, vector<128x256xf32>, vector<400x256xf32> -> vector<400x256xf32>
    %add3A_45 = arith.addf %add3A_32, %dot_general3A_44 : vector<400x256xf32>
    %get3A_46 = arith.constant 0 : index
    %get3A_47 = arith.constant 0 : index
    %get3A_48 = vector.load %arg6[%get3A_46, %get3A_47] : memref<1x256xf32, #tpu.memory_space<vmem>>, vector<1x256xf32>
    %add3A_49 = vector.broadcast %get3A_48 : vector<1x256xf32> to vector<400x256xf32>
    %add3A_50 = arith.addf %add3A_45, %add3A_49 : vector<400x256xf32>
    %max3A_51 = arith.constant 0.000000e+00 : f32
    %max3A_52 = vector.broadcast %max3A_51 : f32 to vector<400x256xf32>
    %max3A_53 = arith.maximumf %add3A_50, %max3A_52 : vector<400x256xf32>
    %slice3A_54 = vector.extract_strided_slice %max3A_53 {offsets = [0, 0], sizes = [400, 128], strides = [1, 1]} : vector<400x256xf32> to vector<400x128xf32>
    %swap3A = arith.constant 0 : index
    %swap3A_55 = arith.constant 0 : index
    %swap3A_56 = arith.constant 0 : index
    %swap3A_57 = vector.load %arg7[%swap3A, %swap3A_55, %swap3A_56] : memref<2x400x128xf32, #tpu.memory_space<vmem>>, vector<1x400x128xf32>
    %swap3A_58 = vector.shape_cast %swap3A_57 : vector<1x400x128xf32> to vector<400x128xf32>
    %swap3A_59 = vector.shape_cast %slice3A_54 : vector<400x128xf32> to vector<1x400x128xf32>
    tpu.vector_store %arg7[%swap3A, %swap3A_55, %swap3A_56], %swap3A_59 {strides = array<i32>} : memref<2x400x128xf32, #tpu.memory_space<vmem>>, vector<1x400x128xf32>,
    %slice3A_60 = vector.extract_strided_slice %max3A_53 {offsets = [0, 128], sizes = [400, 128], strides = [1, 1]} : vector<400x256xf32> to vector<400x128xf32>
    %swap3A_61 = arith.constant 1 : index
    %swap3A_62 = arith.constant 0 : index
    %swap3A_63 = arith.constant 0 : index
    %swap3A_64 = vector.load %arg7[%swap3A_61, %swap3A_62, %swap3A_63] : memref<2x400x128xf32, #tpu.memory_space<vmem>>, vector<1x400x128xf32>
    %swap3A_65 = vector.shape_cast %swap3A_64 : vector<1x400x128xf32> to vector<400x128xf32>
    %swap3A_66 = vector.shape_cast %slice3A_60 : vector<400x128xf32> to vector<1x400x128xf32>
    tpu.vector_store %arg7[%swap3A_61, %swap3A_62, %swap3A_63], %swap3A_66 {strides = array<i32>} : memref<2x400x128xf32, #tpu.memory_space<vmem>>, vector<1x400x128xf32>,
    return
  }
  func.func @transform_0(%arg0: i32) -> (i32, i32) {
    %c0_i32 = arith.constant 0 : i32
    %c0_i32_0 = arith.constant 0 : i32
    return %arg0, %c0_i32 : i32, i32
  }
  func.func @transform_1(%arg0: i32) -> (i32, i32, i32) {
    %c0_i32 = arith.constant 0 : i32
    %c0_i32_0 = arith.constant 0 : i32
    %c0_i32_1 = arith.constant 0 : i32
    return %c0_i32, %arg0, %c0_i32_0 : i32, i32, i32
  }
  func.func @transform_2(%arg0: i32) -> (i32, i32, i32) {
    %c0_i32 = arith.constant 0 : i32
    %c0_i32_0 = arith.constant 0 : i32
    %c0_i32_1 = arith.constant 0 : i32
    return %c0_i32, %arg0, %c0_i32_0 : i32, i32, i32
  }
  func.func @transform_3(%arg0: i32) -> (i32, i32) {
    %c0_i32 = arith.constant 0 : i32
    %c0_i32_0 = arith.constant 0 : i32
    %c0_i32_1 = arith.constant 0 : i32
    return %c0_i32, %c0_i32_0 : i32, i32
  }
  func.func @transform_4(%arg0: i32) -> (i32, i32) {
    %c0_i32 = arith.constant 0 : i32
    %c0_i32_0 = arith.constant 0 : i32
    %c0_i32_1 = arith.constant 0 : i32
    return %c0_i32, %c0_i32_0 : i32, i32
  }
  func.func @transform_5(%arg0: i32) -> (i32, i32) {
    %c0_i32 = arith.constant 0 : i32
    %c0_i32_0 = arith.constant 0 : i32
    %c0_i32_1 = arith.constant 0 : i32
    return %c0_i32, %c0_i32_0 : i32, i32
  }
  func.func @transform_6(%arg0: i32) -> (i32, i32, i32) {
    %c0_i32 = arith.constant 0 : i32
    %c0_i32_0 = arith.constant 0 : i32
    %c0_i32_1 = arith.constant 0 : i32
    return %c0_i32, %arg0, %c0_i32_0 : i32, i32, i32
  }
}

module attributes {stable_mosaic.version = 14 : i64} {
  func.func @_tc1_body(%arg0: i32, %arg1: memref<2x400x128xf32, #tpu.memory_space<vmem>>, %arg2: memref<2x400x128xf32, #tpu.memory_space<vmem>>, %arg3: memref<2x400x128xf32, #tpu.memory_space<vmem>>, %arg4: memref<256x256xf32, #tpu.memory_space<vmem>>, %arg5: memref<256x256xf32, #tpu.memory_space<vmem>>, %arg6: memref<1x256xf32, #tpu.memory_space<vmem>>, %arg7: memref<400x256xf32, #tpu.memory_space<vmem>>) attributes {dimension_semantics = [#tpu.dimension_semantics<arbitrary>], iteration_bounds = array<i64: 25>, scalar_prefetch = 0 : i64, scratch_operands = 0 : i64, tpu.core_type = #tpu.core_type<tc>, window_params = [{transform_indices = @transform_0, window_bounds = array<i64: 2, 400, 128>}, {transform_indices = @transform_1, window_bounds = array<i64: 2, 400, 128>}, {transform_indices = @transform_2, window_bounds = array<i64: 2, 400, 128>}, {pipeline_mode = #tpu.pipeline_mode<synchronous>, transform_indices = @transform_3, window_bounds = array<i64: 256, 256>}, {pipeline_mode = #tpu.pipeline_mode<synchronous>, transform_indices = @transform_4, window_bounds = array<i64: 256, 256>}, {pipeline_mode = #tpu.pipeline_mode<synchronous>, transform_indices = @transform_5, window_bounds = array<i64: 1, 256>}, {transform_indices = @transform_6, window_bounds = array<i64: 400, 256>}]} {
    %get3A = arith.constant 0 : index
    %get3A_0 = arith.constant 0 : index
    %get3A_1 = arith.constant 0 : index
    %get3A_2 = vector.load %arg1[%get3A, %get3A_0, %get3A_1] : memref<2x400x128xf32, #tpu.memory_space<vmem>>, vector<1x400x128xf32>
    %get3A_3 = vector.shape_cast %get3A_2 : vector<1x400x128xf32> to vector<400x128xf32>
    %get3A_4 = arith.constant 0 : index
    %get3A_5 = arith.constant 0 : index
    %get3A_6 = vector.load %arg4[%get3A_4, %get3A_5] : memref<256x256xf32, #tpu.memory_space<vmem>>, vector<128x256xf32>
    %dot_general3A = arith.constant dense<0.000000e+00> : vector<400x256xf32>
    %dot_general3A_7 = tpu.matmul %get3A_3, %get3A_6, %dot_general3A {dimension_numbers = #tpu.dot_dimension_numbers<[1], [0], [0], [1], [0, 0, 1, 1], [], []>, transpose_lhs_hint = false} : vector<400x128xf32>, vector<128x256xf32>, vector<400x256xf32> -> vector<400x256xf32>
    %get3A_8 = arith.constant 1 : index
    %get3A_9 = arith.constant 0 : index
    %get3A_10 = arith.constant 0 : index
    %get3A_11 = vector.load %arg1[%get3A_8, %get3A_9, %get3A_10] : memref<2x400x128xf32, #tpu.memory_space<vmem>>, vector<1x400x128xf32>
    %get3A_12 = vector.shape_cast %get3A_11 : vector<1x400x128xf32> to vector<400x128xf32>
    %get3A_13 = arith.constant 128 : index
    %get3A_14 = arith.constant 0 : index
    %get3A_15 = vector.load %arg4[%get3A_13, %get3A_14] : memref<256x256xf32, #tpu.memory_space<vmem>>, vector<128x256xf32>
    %dot_general3A_16 = arith.constant dense<0.000000e+00> : vector<400x256xf32>
    %dot_general3A_17 = tpu.matmul %get3A_12, %get3A_15, %dot_general3A_16 {dimension_numbers = #tpu.dot_dimension_numbers<[1], [0], [0], [1], [0, 0, 1, 1], [], []>, transpose_lhs_hint = false} : vector<400x128xf32>, vector<128x256xf32>, vector<400x256xf32> -> vector<400x256xf32>
    %add3A = arith.addf %dot_general3A_7, %dot_general3A_17 : vector<400x256xf32>
    %get3A_18 = arith.constant 0 : index
    %get3A_19 = arith.constant 0 : index
    %get3A_20 = arith.constant 0 : index
    %get3A_21 = vector.load %arg3[%get3A_18, %get3A_19, %get3A_20] : memref<2x400x128xf32, #tpu.memory_space<vmem>>, vector<1x400x128xf32>
    %get3A_22 = vector.shape_cast %get3A_21 : vector<1x400x128xf32> to vector<400x128xf32>
    %slice3A = vector.extract_strided_slice %get3A_22 {offsets = [0, 0], sizes = [400, 1], strides = [1, 1]} : vector<400x128xf32> to vector<400x1xf32>
    %get3A_23 = arith.constant 1 : index
    %get3A_24 = arith.constant 0 : index
    %get3A_25 = arith.constant 0 : index
    %get3A_26 = vector.load %arg3[%get3A_23, %get3A_24, %get3A_25] : memref<2x400x128xf32, #tpu.memory_space<vmem>>, vector<1x400x128xf32>
    %get3A_27 = vector.shape_cast %get3A_26 : vector<1x400x128xf32> to vector<400x128xf32>
    %slice3A_28 = vector.extract_strided_slice %get3A_27 {offsets = [0, 0], sizes = [400, 1], strides = [1, 1]} : vector<400x128xf32> to vector<400x1xf32>
    %add3A_29 = arith.addf %slice3A, %slice3A_28 : vector<400x1xf32>
    %max3A = arith.constant 1.000000e+00 : f32
    %max3A_30 = vector.broadcast %max3A : f32 to vector<400x1xf32>
    %max3A_31 = arith.maximumf %add3A_29, %max3A_30 : vector<400x1xf32>
    %div3A = arith.constant 1.000000e+00 : f32
    %div3A_32 = vector.broadcast %div3A : f32 to vector<400x1xf32>
    %div3A_33 = arith.divf %div3A_32, %max3A_31 : vector<400x1xf32>
    %get3A_34 = arith.constant 0 : index
    %get3A_35 = arith.constant 0 : index
    %get3A_36 = arith.constant 0 : index
    %get3A_37 = vector.load %arg2[%get3A_34, %get3A_35, %get3A_36] : memref<2x400x128xf32, #tpu.memory_space<vmem>>, vector<1x400x128xf32>
    %get3A_38 = vector.shape_cast %get3A_37 : vector<1x400x128xf32> to vector<400x128xf32>
    %mul3A = vector.broadcast %div3A_33 : vector<400x1xf32> to vector<400x128xf32>
    %mul3A_39 = arith.mulf %get3A_38, %mul3A : vector<400x128xf32>
    %get3A_40 = arith.constant 0 : index
    %get3A_41 = arith.constant 0 : index
    %get3A_42 = vector.load %arg5[%get3A_40, %get3A_41] : memref<256x256xf32, #tpu.memory_space<vmem>>, vector<128x256xf32>
    %dot_general3A_43 = arith.constant dense<0.000000e+00> : vector<400x256xf32>
    %dot_general3A_44 = tpu.matmul %mul3A_39, %get3A_42, %dot_general3A_43 {dimension_numbers = #tpu.dot_dimension_numbers<[1], [0], [0], [1], [0, 0, 1, 1], [], []>, transpose_lhs_hint = false} : vector<400x128xf32>, vector<128x256xf32>, vector<400x256xf32> -> vector<400x256xf32>
    %add3A_45 = arith.addf %add3A, %dot_general3A_44 : vector<400x256xf32>
    %get3A_46 = arith.constant 1 : index
    %get3A_47 = arith.constant 0 : index
    %get3A_48 = arith.constant 0 : index
    %get3A_49 = vector.load %arg2[%get3A_46, %get3A_47, %get3A_48] : memref<2x400x128xf32, #tpu.memory_space<vmem>>, vector<1x400x128xf32>
    %get3A_50 = vector.shape_cast %get3A_49 : vector<1x400x128xf32> to vector<400x128xf32>
    %mul3A_51 = vector.broadcast %div3A_33 : vector<400x1xf32> to vector<400x128xf32>
    %mul3A_52 = arith.mulf %get3A_50, %mul3A_51 : vector<400x128xf32>
    %get3A_53 = arith.constant 128 : index
    %get3A_54 = arith.constant 0 : index
    %get3A_55 = vector.load %arg5[%get3A_53, %get3A_54] : memref<256x256xf32, #tpu.memory_space<vmem>>, vector<128x256xf32>
    %dot_general3A_56 = arith.constant dense<0.000000e+00> : vector<400x256xf32>
    %dot_general3A_57 = tpu.matmul %mul3A_52, %get3A_55, %dot_general3A_56 {dimension_numbers = #tpu.dot_dimension_numbers<[1], [0], [0], [1], [0, 0, 1, 1], [], []>, transpose_lhs_hint = false} : vector<400x128xf32>, vector<128x256xf32>, vector<400x256xf32> -> vector<400x256xf32>
    %add3A_58 = arith.addf %add3A_45, %dot_general3A_57 : vector<400x256xf32>
    %get3A_59 = arith.constant 0 : index
    %get3A_60 = arith.constant 0 : index
    %get3A_61 = vector.load %arg6[%get3A_59, %get3A_60] : memref<1x256xf32, #tpu.memory_space<vmem>>, vector<1x256xf32>
    %add3A_62 = vector.broadcast %get3A_61 : vector<1x256xf32> to vector<400x256xf32>
    %add3A_63 = arith.addf %add3A_58, %add3A_62 : vector<400x256xf32>
    %swap3A = arith.constant 0 : index
    %swap3A_64 = arith.constant 0 : index
    %swap3A_65 = vector.load %arg7[%swap3A, %swap3A_64] : memref<400x256xf32, #tpu.memory_space<vmem>>, vector<400x256xf32>
    tpu.vector_store %arg7[%swap3A, %swap3A_64], %add3A_63 {strides = array<i32>} : memref<400x256xf32, #tpu.memory_space<vmem>>, vector<400x256xf32>,
    return
  }
  func.func @transform_0(%arg0: i32) -> (i32, i32, i32) {
    %c0_i32 = arith.constant 0 : i32
    %c0_i32_0 = arith.constant 0 : i32
    %c0_i32_1 = arith.constant 0 : i32
    return %c0_i32, %arg0, %c0_i32_0 : i32, i32, i32
  }
  func.func @transform_1(%arg0: i32) -> (i32, i32, i32) {
    %c0_i32 = arith.constant 0 : i32
    %c0_i32_0 = arith.constant 0 : i32
    %c0_i32_1 = arith.constant 0 : i32
    return %c0_i32, %arg0, %c0_i32_0 : i32, i32, i32
  }
  func.func @transform_2(%arg0: i32) -> (i32, i32, i32) {
    %c0_i32 = arith.constant 0 : i32
    %c0_i32_0 = arith.constant 0 : i32
    %c0_i32_1 = arith.constant 0 : i32
    return %c0_i32, %arg0, %c0_i32_0 : i32, i32, i32
  }
  func.func @transform_3(%arg0: i32) -> (i32, i32) {
    %c0_i32 = arith.constant 0 : i32
    %c0_i32_0 = arith.constant 0 : i32
    %c0_i32_1 = arith.constant 0 : i32
    return %c0_i32, %c0_i32_0 : i32, i32
  }
  func.func @transform_4(%arg0: i32) -> (i32, i32) {
    %c0_i32 = arith.constant 0 : i32
    %c0_i32_0 = arith.constant 0 : i32
    %c0_i32_1 = arith.constant 0 : i32
    return %c0_i32, %c0_i32_0 : i32, i32
  }
  func.func @transform_5(%arg0: i32) -> (i32, i32) {
    %c0_i32 = arith.constant 0 : i32
    %c0_i32_0 = arith.constant 0 : i32
    %c0_i32_1 = arith.constant 0 : i32
    return %c0_i32, %c0_i32_0 : i32, i32
  }
  func.func @transform_6(%arg0: i32) -> (i32, i32) {
    %c0_i32 = arith.constant 0 : i32
    %c0_i32_0 = arith.constant 0 : i32
    return %arg0, %c0_i32 : i32, i32
  }
}

</mosaic_0001>

<sc_bundles>
// kernel: kernel.10.cloned.1.call-start
scs
__scs_entry_jumppad:
0x0: {  	(pc) =	sbr.rel $0x88, $3  }
0x1: {  	(tag) =	ssettag $0x0;
	lr =	simm.s32 $0x1  }
0x2: {  	[smem:$0x3F99] =	sst lr;
	_ =	strace $0xD0000000  }
0x3: {  	_ = 	snop  }
0x4: {  	_ = 	snop  }
0x5: {  	_ = 	snop  }
0x6: {  	_ = 	snop  }
0x7: {  	_ = 	snop  }
__scs_overlays_trampoline_lowered:
0x8: {  	[smem:$0x3FA8] =	sst s0  }
0x9: {  	[smem:$0x3FA9] =	sst s1  }
0xa: {  	[smem:$0x3FAA] =	sst s2  }
0xb: {  	[smem:$0x3FAB] =	sst s3  }
0xc: {  	[smem:$0x3FAC] =	sst s4  }
0xd: {  	[smem:$0x3FAD] =	sst s5  }
0xe: {  	[smem:$0x3FAE] =	sst s6  }
0xf: {  	[smem:$0x3FAF] =	sst s7  }
0x10: {  	[smem:$0x3FB0] =	sst s8  }
0x11: {  	[smem:$0x3FB1] =	sst s9;
	s0 =	simm.s32 @!p0 $0x0  }
0x12: {  	s1 =	sld [smem:$0x3F97];
	s0 =	simm.s32 @p0 $0x1  }
0x13: {  	[smem:$0x3FB2] =	sst s0;
	s0 =	simm.s32 @!p1 $0x0  }
0x14: {  	s2 =	sld [smem:$0x3F96];
	s0 =	simm.s32 @p1 $0x1  }
0x15: {  	[smem:$0x3FB3] =	sst s0;
	s0 =	simm.s32 @!p2 $0x0  }
0x16: {  	s3 =	sld [smem:$0x3FDB];
	s0 =	simm.s32 @p2 $0x1  }
0x17: {  	s4 =	simm.s32 $0x1BF5;
	[smem:$0x3FB5] =	sst s0  }
0x18: {  	s0 =	sld [smem:$0x3F98];
	_ =	swait.ge [sflag:s4], $0x0  }
0x19: {  	s7 =	sld [smem:$0x3F99]  }
0x1a: {  	s8 =	sadd.s32 $0xFFFFE003, lr  }
0x1b: {  	s9 =	sadd.s32 $0xFFFFFEF7, lr;
	s5 =	simm.s32 $0xFFFFFFFF;
	p2 =	slt.u32 s8, $0xFFFFF086  }
0x1c: {  	p1 =	slt.u32 s9, $0xF7A;
	s5 =	simm.s32 @!p2 $0x0  }
0x1d: {  	s5 =	simm.s32 @p1 $0x1;
	p0 =	seq.s32 s7, s2  }
0x1e: {  	s7 =	smul.u32 @!p0 $0xF7A, s2;
	p2 =	seq.s32 @!p0 s5, $0x0  }
0x1f: {  	s9 =	smul.u32 $0xF7A, s1;
	s8 =	simm.s32 @!p0 $0x1BF5;
	p2 =	por !p2, p0  }
0x20: {  	[sflag:s8] =	ssyncset.s32 @!p0 $0xFFFFF086;
	s6 =	sadd.s32 @!p0 s3, s7;
	s7 =	simm.s32 @!p0 $0x108  }
0x21: {  	s3 =	sadd.s32 s3, s9;
	s6 =	sadd.s32 @!p0 $0x88, s6;
	s7 =	simm.s32 @p2 $0x1082  }
0x22: {  	[simem:s7], [sflag:s8] =	dma.local @!p0 [hbm:s6], $0xF7A  }
0x23: {  	s9 =	sor.u32 $0xD0000000, s2;
	s6 =	simm.s32 $0x108;
	_ =	swait.ge @!p0 [sflag:s8], $0x0  }
0x24: {  	s3 =	sadd.s32 $0x88, s3;
	s6 =	simm.s32 @!p1 $0x1082;
	[sflag:s4] =	ssyncset.s32 $0xFFFFF086  }
0x25: {  	[simem:s6], [sflag:s4] =	dma.local [hbm:s3], $0xF7A  }
0x26: {  	[smem:$0x3F99] =	sst s1;
	(tag) =	ssettag s2;
	_ =	strace s9  }
0x27: {  	s1 =	sld [smem:$0x3FA9]  }
0x28: {  	s2 =	sld [smem:$0x3FAA]  }
0x29: {  	s4 =	sld [smem:$0x3FAC]  }
0x2a: {  	p0 =	seq.s32 s5, $0x0;
	s5 =	sld [smem:$0x3FAD]  }
0x2b: {  	s6 =	sld [smem:$0x3FAE]  }
0x2c: {  	s7 =	sld [smem:$0x3FAF]  }
0x2d: {  	s3 =	simm.s32 $0x108;
	s8 =	sld [smem:$0x3FB0]  }
0x2e: {  	s3 =	simm.s32 @!p0 $0x1082;
	s9 =	sld [smem:$0x3FB1]  }
0x2f: {  	lr =	sadd.s32 s0, s3;
	s0 =	sld [smem:$0x3FA8]  }
0x30: {  	s3 =	sld [smem:$0x3FAB]  }
0x31: {  	[smem:$0x3FB4] =	sst s10  }
0x32: {  	s10 =	sld [smem:$0x3FB2];
	_ =	sdelay $0x3  }
0x33: {  	p0 =	seq.s32 s10, $0x1;
	s10 =	sld [smem:$0x3FB4];
	_ =	sdelay $0x3  }
0x34: {  	[smem:$0x3FB4] =	sst s10  }
0x35: {  	s10 =	sld [smem:$0x3FB3];
	_ =	sdelay $0x3  }
0x36: {  	p1 =	seq.s32 s10, $0x1;
	s10 =	sld [smem:$0x3FB4];
	_ =	sdelay $0x3  }
0x37: {  	[smem:$0x3FB4] =	sst s10  }
0x38: {  	s10 =	sld [smem:$0x3FB5]  }
0x39: {  	_ = 	snop;
	(pc) =	sbr.ind lr, $3  }
0x3a: {  	_ = 	snop  }
0x3b: {  	_ = 	snop  }
0x3c: {  	p2 =	seq.s32 s10, $0x1;
	s10 =	sld [smem:$0x3FB4]  }
0x3d: {  	_ =	shalt  }
0x3e: {  	_ =	shalt  }
0x3f: {  	_ =	shalt  }
0x40: {  	_ =	shalt  }
0x41: {  	_ =	shalt  }
0x42: {  	_ =	shalt  }
0x43: {  	_ =	shalt  }
0x44: {  	_ =	shalt  }
0x45: {  	_ =	shalt  }
0x46: {  	_ =	shalt  }
0x47: {  	_ =	shalt  }
0x48: {  	_ =	shalt  }
0x49: {  	_ =	shalt  }
0x4a: {  	_ =	shalt  }
0x4b: {  	_ =	shalt  }
0x4c: {  	_ =	shalt  }
0x4d: {  	_ =	shalt  }
0x4e: {  	_ =	shalt  }
0x4f: {  	_ =	shalt  }
0x50: {  	_ =	shalt  }
0x51: {  	_ =	shalt  }
0x52: {  	_ =	shalt  }
0x53: {  	_ =	shalt  }
0x54: {  	_ =	shalt  }
0x55: {  	_ =	shalt  }
0x56: {  	_ =	shalt  }
0x57: {  	_ =	shalt  }
0x58: {  	_ =	shalt  }
0x59: {  	_ =	shalt  }
0x5a: {  	_ =	shalt  }
0x5b: {  	_ =	shalt  }
0x5c: {  	_ =	shalt  }
0x5d: {  	_ =	shalt  }
0x5e: {  	_ =	shalt  }
0x5f: {  	_ =	shalt  }
0x60: {  	_ =	shalt  }
0x61: {  	_ =	shalt  }
0x62: {  	_ =	shalt  }
0x63: {  	_ =	shalt  }
0x64: {  	_ =	shalt  }
0x65: {  	_ =	shalt  }
0x66: {  	_ =	shalt  }
0x67: {  	_ =	shalt  }
0x68: {  	_ =	shalt  }
0x69: {  	_ =	shalt  }
0x6a: {  	_ =	shalt  }
0x6b: {  	_ =	shalt  }
0x6c: {  	_ =	shalt  }
0x6d: {  	_ =	shalt  }
0x6e: {  	_ =	shalt  }
0x6f: {  	_ =	shalt  }
0x70: {  	_ =	shalt  }
0x71: {  	_ =	shalt  }
0x72: {  	_ =	shalt  }
0x73: {  	_ =	shalt  }
0x74: {  	_ =	shalt  }
0x75: {  	_ =	shalt  }
0x76: {  	_ =	shalt  }
0x77: {  	_ =	shalt  }
0x78: {  	_ =	shalt  }
0x79: {  	_ =	shalt  }
0x7a: {  	_ =	shalt  }
0x7b: {  	_ =	shalt  }
0x7c: {  	_ =	shalt  }
0x7d: {  	_ =	shalt  }
0x7e: {  	_ =	shalt  }
0x7f: {  	_ =	shalt  }
0x80: {  	_ =	shalt  }
0x81: {  	_ =	shalt  }
0x82: {  	_ =	shalt  }
0x83: {  	_ =	shalt  }
0x84: {  	_ =	shalt  }
0x85: {  	_ =	shalt  }
0x86: {  	_ =	shalt  }
0x87: {  	_ =	shalt  }
.Lfunc_end0:
.L_simem_size_0:
called_computation.1_lowered:
.L_overlay_start_0:
0x88: {  	s2 =	sld [smem:$0x3FD9]  }
0x89: {  	s3 =	sld [smem:$0x3FFE];
	_ =	sdelay $0x1  }
0x8a: {  	s1 =	srdreg.scid  }
0x8b: {  	s0 =	sand.u32 $0x1, s1  }
0x8c: {  	s17 =	sshll.u32 s0, $0xA;
	s2 =	sadd.s32 s3, s2  }
0x8d: {  	s2 =	sadd.s32 s2, s17  }
0x8e: {  	[smem:$0x3FC0] =	sst s2  }
0x8f: {  	_ = 	snop  }
0x90: {  	s2 =	sld [smem:$0x3FD0];
	(tm) =	ssettm $0x1  }
0x91: {  	s18 =	sld [smem:$0x3FFB];
	_ =	sdelay $0x3  }
0x92: {  	_ =	strace s18  }
0x93: {  	s3 =	sld [smem:$0x3FFC];
	_ =	sdelay $0x3  }
0x94: {  	_ =	strace s3  }
0x95: {  	s3 =	sld [smem:$0x3FFD];
	_ =	sdelay $0x3  }
0x96: {  	_ =	strace s3  }
0x97: {  	_ =	strace $0x8FFFFFFF  }
0x98: {  	s19 =	sld [smem:$0x3FDB];
	_ =	sdelay $0x1  }
0x99: {  	s4 =	simm.s32 $_scs_section_size  }
0x9a: {  	s5 =	simm.s32 $_size__tile_overlayer_lowered;
	s6 =	simm.s32 $_tile_overlayer_lowered  }
0x9b: {  	s22 =	simm.s32 $0x1BFF;
	s21 =	sshll.u32 s6, $0x1;
	s3 =	sadd.s32 s4, s19  }
0x9c: {  	s7 =	simm.s32 $0x0;
	s20 =	sshll.u32 s5, $0x1;
	s5 =	sadd.s32 s21, s3  }
0x9d: {  	[timem:s7], [sflag:s22] =	dma.local [hbm:s5], s20  }
0x9e: {  	_ =	swait.ge [sflag:s22], s20  }
0x9f: {  	s4 =	ssub.s32 $0x0, s20;
	[sflag:s22] =	ssyncset.done $0x0  }
0xa0: {  	[sflag:s22] =	ssyncadd.s32 s4;
	_ =	sdelay $0x1  }
0xa1: {  	s23 =	simm.s32 $0x1B8B  }
0xa2: {  	_ =	swait.ge [sflag:s23], $0x1  }
0xa3: {  	[sflag:s23] =	ssyncset.done $0x0  }
0xa4: {  	s25 =	simm.s32 $0x1B8E;
	s24 =	sld [smem:$0x3FFE];
	[sflag:s23] =	ssyncadd.s32 $0xFFFFFFFF  }
0xa5: {  	s26 =	simm.s32 $execute0_lowered;
	[smem:$0x3FD2] =	sst s25  }
0xa6: {  	s5 =	sshll.u32 s26, $0x1;
	_ =	strace $0x80000046;
	[dreg:$0x1] =	wrdreg $0xFFFFFFFF  }
0xa7: {  	s28 =	simm.s32 $_size_execute0_lowered;
	s3 =	sadd.s32 s3, s5;
	[dreg:$0x0] =	wrdreg $0x0  }
0xa8: {  	s5 =	sshll.u32 s28, $0x1;
	[dreg:$0x2] =	wrdreg s3  }
0xa9: {  	[dreg:$0x3] =	wrdreg s5  }
0xaa: {  	[dreg:$0x4] =	wrdreg $0xC0  }
0xab: {  	_ =	task [dreg:s7], $0x5FFFF  }
0xac: {  	[dreg:$0x1] =	wrdreg $0xFFFFFFFF  }
0xad: {  	[dreg:$0x0] =	wrdreg $0x60  }
0xae: {  	[dreg:$0x2] =	wrdreg s2  }
0xaf: {  	[dreg:$0x3] =	wrdreg s24  }
0xb0: {  	[dreg:$0x4] =	wrdreg $0xA8000  }
0xb1: {  	[dreg:$0x5] =	wrdreg $0xA  }
0xb2: {  	_ =	task.clear_ibuf [dreg:s7], $0x6FFFF;
	_ =	strace $0x90000046  }
0xb3: {  	s29 =	simm.s32 $0xA;
	_ =	strace $0x80000048  }
0xb4: {  	_ =	swait.ge [sflag:s29], $0x1  }
0xb5: {  	[sflag:s29] =	ssyncadd.s32 $0xFFFFFFFF  }
0xb6: {  	_ =	strace $0x90000048  }
0xb7: {  	_ =	sfence  }
0xb8: {  	s30 =	sld [smem:$0x0];
	_ =	sdelay $0x2  }
0xb9: {  	s31 =	sshll.u32 s1, $0xD;
	s1 =	sshrl.u32 s1, $0x2  }
0xba: {  	s3 =	sand.u32 $0x4000, s31;
	s1 =	sadd.s32 s1, s30  }
0xbb: {  	s0 =	sor.u32 s3, s0;
	s1 =	sshll.u32 s1, $0x11  }
0xbc: {  	s0 =	sor.u32 s1, s0  }
0xbd: {  	s0 =	sadd.s32 $0x8F2B, s0  }
0xbe: {  	[sflag:s0] =	ssyncadd.remote.s32 $0x1  }
0xbf: {  	_ =	sfence.sel $0xFFFF  }
0xc0: {  	[dreg:$0x0] =	wrdreg $0xFFFFFFFF;
	(pc) =	sbr.abs _section_cstart, $3  }
0xc1: {  	[dreg:$0x1] =	wrdreg $0xFFFFFFFF  }
0xc2: {  	_ =	task.clear_ibuf [dreg:s7], $0x2FFFF;
	_ =	strace $0x9FFFFFFF  }
0xc3: {  	(tm) =	ssettm $0x7FFFFFFF  }
tec
execute0_lowered:
.L_overlay_start_1:
0x0: {  	(tag) =	ssettag $0x1  }
0x1: {  	s1 =	rddreg [dreg:$0x0]  }
0x2: {  	s0 =	srdreg.scid;
	s5 =	rddreg [dreg:$0x1]  }
0x3: {  	s3 =	rddreg [dreg:$0x2];
	s4 =	simm.s32 $0x0;
	s16 =	simm.s32 $0x2800  }
0x4: {  	s17 =	simm.s32 $0x3;
	s18 =	simm.s32 $0x1400;
	s6 =	sand.u32 $0x1, s0  }
0x5: {  	s19 =	simm.s32 $0x80;
	s0 =	stileid.u32;
	s7 =	smul.u32 $0x28000, s6  }
0x6: {  	s20 =	simm.s32 $0x6800;
	s21 =	simm.s32 $0x1;
	s8 =	smul.u32 $0x2800, s0  }
0x7: {  	s22 =	simm.s32 $0x2;
	s23 =	simm.s32 $0x1380;
	s9 =	smul.u32 $0x140000, s6  }
0x8: {  	s24 =	simm.s32 $0x2700;
	s25 =	simm.s32 $0x2780;
	s10 =	smul.u32 $0x14000, s0  }
0x9: {  	[smem:$0x7FF] =	sst s4;
	s28 =	smul.u32 $0x50000, s0;
	s6 =	ssub.s32 $0x2, s6  }
0xa: {  	_ =	strace $0x80000047;
	s30 =	sshrl.u32 s6, $0x1;
	s7 =	sadd.s32 s7, s8  }
0xb: {  	s26 =	sshrl.u32 s8, $0x3;
	s29 =	sadd.s32 s10, s9;
	s8 =	sshrl.u32 s28, $0x2  }
0xc: {  	s11 =	ssub.s32 s6, s30;
	s7 =	sshrl.u32 s7, $0x3;
	s15 =	sadd.s32 s26, s5  }
0xd: {  	s11 =	smax.u32 s11, $0x1;
	s26 =	simm.s32 $0x0;
	s14 =	sadd.s32 s7, s5  }
0xe: {  	s7 =	sshrl.u32 s29, $0x3;
	s13 =	sadd.s32 $0x3000, s15;
	s15 =	sadd.s32 $0x3280, s15  }
0xf: {  	s31 =	sadd.s32 s7, s5;
	s5 =	sadd.s32 s8, s3;
	s12 =	sadd.s32 $0x8000, s14  }
0x10: {  	s14 =	sadd.s32 $0x8280, s14;
	s6 =	sadd.s32 $0x4000, s5;
	s7 =	sadd.s32 $0x8000, s5  }
0x11: {  	v0 =	vimm.f32 $0.0e+00;
	s8 =	sadd.s32 $0xC000, s5;
	s9 =	sadd.s32 $0x10000, s5;
	s10 =	sadd.s32 $0x12000, s31  }
.LBB2_1:
0x12: {  	s28 =	simm.s32 $0x0  }
0x13: {  	s29 =	sand.u32 $0xFFFFFF80, s28  }
0x14: {  	s29 =	ssub.s32 $0x0, s29  }
0x15: {  	s28 =	sand.u32 $0x3FFFFF80, s28;
	s29 =	sand.u32 $0xFFFFFF80, s29  }
0x16: {  	s30 =	sand.u32 $0x70, s4;
	s29 =	sadd.s32 s29, s28  }
0x17: {  	s28 =	simm.s32 $0x1;
	s30 =	sor.u32 s30, s29;
	s29 =	simm.s32 $0x0  }
.LBB2_2:
0x18: {  	s31 =	sshll.u32 s28, $0x4;
	p0 =	sne.s32 s28, $0x3FF;
	s28 =	sadd.s32 $0x1, s28;
	[tilespmem:s30+$0x2800] =	vst v0  }
.Ltmp0:
0x19: {  	s29 =	sadd.s32 $0x10, s29;
	s30 =	sand.u32 $0xFFFFFF80, s31;
	(pc) =	sbr.rel @p0 .LBB2_2-.Ltmp0, $4  }
0x1a: {  	s30 =	ssub.s32 s29, s30  }
0x1b: {  	s31 =	sand.u32 $0x3FFFFF80, s31;
	s30 =	sand.u32 $0xFFFFFF80, s30  }
0x1c: {  	s2 =	sand.u32 $0x70, s29;
	s30 =	sadd.s32 s30, s31  }
0x1d: {  	s30 =	sor.u32 s2, s30  }
0x1e: {  	[tilespmem:s30+$0x2800] =	vst v0  }
0x1f: {  	[spmem:s5] =	stream.linear.scatter [tilespmem:s16], [sflag:$0x3], $0x4000, $0x38;
	[tilespmem:$0x1E800] =	vst v63  }
0x20: {  	_ =	swait.ge [sflag:s17], $0x4000  }
0x21: {  	[sflag:s17] =	ssyncset.done $0x0  }
0x22: {  	[sflag:s17] =	ssyncadd.s32 $0xFFFFC000  }
0x23: {  	[spmem:s6] =	stream.linear.scatter [tilespmem:s16], [sflag:$0x3], $0x4000, $0x38;
	[tilespmem:$0x1E800] =	vst v63  }
0x24: {  	_ =	swait.ge [sflag:s17], $0x4000  }
0x25: {  	[sflag:s17] =	ssyncset.done $0x0  }
0x26: {  	[sflag:s17] =	ssyncadd.s32 $0xFFFFC000  }
0x27: {  	[spmem:s7] =	stream.linear.scatter [tilespmem:s16], [sflag:$0x3], $0x4000, $0x38;
	[tilespmem:$0x1E800] =	vst v63  }
0x28: {  	_ =	swait.ge [sflag:s17], $0x4000  }
0x29: {  	[sflag:s17] =	ssyncset.done $0x0  }
0x2a: {  	[sflag:s17] =	ssyncadd.s32 $0xFFFFC000  }
0x2b: {  	[spmem:s8] =	stream.linear.scatter [tilespmem:s16], [sflag:$0x3], $0x4000, $0x38;
	[tilespmem:$0x1E800] =	vst v63  }
0x2c: {  	_ =	swait.ge [sflag:s17], $0x4000  }
0x2d: {  	[sflag:s17] =	ssyncset.done $0x0  }
0x2e: {  	[sflag:s17] =	ssyncadd.s32 $0xFFFFC000  }
0x2f: {  	[spmem:s9] =	stream.linear.scatter [tilespmem:s16], [sflag:$0x3], $0x4000, $0x38;
	[tilespmem:$0x1E800] =	vst v63  }
0x30: {  	_ =	swait.ge [sflag:s17], $0x4000  }
0x31: {  	[sflag:s17] =	ssyncset.done $0x0  }
0x32: {  	[sflag:s17] =	ssyncadd.s32 $0xFFFFC000  }
0x33: {  	s2 =	simm.s32 $0x0;
	[bflag:$0x0] =	sbarrier.arrive $0xFFFF  }
0x34: {  	[tilespmem:s2], [sflag:$0x3] =	stream.linear.gather [hbm4b:s12+s2], $0x1400, $0x38;
	[tilespmem:$0x1E800] =	vst v63  }
0x35: {  	_ =	swait.ge [sflag:s17], $0x1400  }
0x36: {  	[sflag:s17] =	ssyncset.done $0x0  }
0x37: {  	[sflag:s17] =	ssyncadd.s32 $0xFFFFEC00  }
0x38: {  	[tilespmem:s18], [sflag:$0x3] =	stream.linear.gather [hbm4b:s13+s2], $0x1400, $0x38;
	[tilespmem:$0x1E800] =	vst v63  }
0x39: {  	_ =	swait.ge [sflag:s17], $0x1400  }
0x3a: {  	[sflag:s17] =	ssyncset.done $0x0  }
0x3b: {  	[sflag:s17] =	ssyncadd.s32 $0xFFFFEC00  }
0x3c: {  	[tilespmem:s16], [sflag:$0x1] =	stream.indirect.gather [hbm4b:s1+s19], $0x80, s2, s19, $0xb8;
	[tilespmem:$0x1E800] =	vst v63  }
0x3d: {  	s30 =	simm.s32 $0x80  }
0x3e: {  	[tilespmem:s20], [sflag:$0x2] =	stream.indirect.gather [hbm4b:s1+s19], $0x80, s30, s19, $0xb8;
	[tilespmem:$0x1E800] =	vst v63  }
0x3f: {  	_ =	swait.ge [sflag:s21], $0x4000  }
0x40: {  	[sflag:s21] =	ssyncset.done $0x0  }
0x41: {  	s31 =	simm.s32 $0x1400;
	[sflag:s21] =	ssyncadd.s32 $0xFFFFC000  }
0x42: {  	[spmem:s3] =	stream.indirect.scatter.add.f32 [tilespmem:s16], [sflag:$0x3], $0x80, s31, s19, $0xb8;
	[tilespmem:$0x1E800] =	vst v63  }
0x43: {  	_ =	swait.ge [sflag:s17], $0x4000  }
0x44: {  	[sflag:s17] =	ssyncset.done $0x0  }
0x45: {  	s30 =	simm.s32 $0x100;
	[sflag:s17] =	ssyncadd.s32 $0xFFFFC000  }
0x46: {  	[tilespmem:s16], [sflag:$0x1] =	stream.indirect.gather [hbm4b:s1+s19], $0x80, s30, s19, $0xb8;
	[tilespmem:$0x1E800] =	vst v63  }
0x47: {  	_ =	swait.ge [sflag:s22], $0x4000  }
0x48: {  	[sflag:s22] =	ssyncset.done $0x0  }
0x49: {  	s31 =	simm.s32 $0x1480;
	[sflag:s22] =	ssyncadd.s32 $0xFFFFC000  }
0x4a: {  	[spmem:s3] =	stream.indirect.scatter.add.f32 [tilespmem:s20], [sflag:$0x3], $0x80, s31, s19, $0xb8;
	[tilespmem:$0x1E800] =	vst v63  }
0x4b: {  	_ =	swait.ge [sflag:s17], $0x4000  }
0x4c: {  	s29 =	simm.s32 $0x800;
	s28 =	simm.s32 $0x100;
	[sflag:s17] =	ssyncset.done $0x0  }
.LBB2_4:
0x4d: {  	s2 =	sadd.s32 $0x80, s28  }
0x4e: {  	[sflag:s17] =	ssyncadd.s32 $0xFFFFC000;
	s30 =	smov.u32 s29;
	s31 =	sadd.s32 $0x400, s29  }
0x4f: {  	[tilespmem:s20], [sflag:$0x2] =	stream.indirect.gather [hbm4b:s1+s19], $0x80, s2, s19, $0xb8;
	[tilespmem:$0x1E800] =	vst v63  }
0x50: {  	p0 =	sne.s32 s29, $0x4800;
	_ =	swait.ge [sflag:s21], $0x4000  }
0x51: {  	[sflag:s21] =	ssyncset.done $0x0  }
0x52: {  	s2 =	sadd.s32 $0x1400, s28;
	[sflag:s21] =	ssyncadd.s32 $0xFFFFC000  }
0x53: {  	[spmem:s3] =	stream.indirect.scatter.add.f32 [tilespmem:s16], [sflag:$0x3], $0x80, s2, s19, $0xb8;
	[tilespmem:$0x1E800] =	vst v63  }
0x54: {  	_ =	swait.ge [sflag:s17], $0x4000  }
0x55: {  	[sflag:s17] =	ssyncset.done $0x0  }
0x56: {  	s2 =	sadd.s32 $0x100, s28;
	[sflag:s17] =	ssyncadd.s32 $0xFFFFC000  }
0x57: {  	[tilespmem:s16], [sflag:$0x1] =	stream.indirect.gather [hbm4b:s1+s19], $0x80, s2, s19, $0xb8;
	[tilespmem:$0x1E800] =	vst v63  }
0x58: {  	_ =	swait.ge [sflag:s22], $0x4000  }
.Ltmp1:
0x59: {  	[sflag:s22] =	ssyncset.done $0x0;
	(pc) =	sbr.rel @p0 .LBB2_4-.Ltmp1, $4  }
0x5a: {  	s2 =	sadd.s32 $0x1480, s28;
	[sflag:s22] =	ssyncadd.s32 $0xFFFFC000  }
0x5b: {  	[spmem:s3] =	stream.indirect.scatter.add.f32 [tilespmem:s20], [sflag:$0x3], $0x80, s2, s19, $0xb8;
	[tilespmem:$0x1E800] =	vst v63  }
0x5c: {  	_ =	swait.ge [sflag:s17], $0x4000  }
0x5d: {  	s29 =	smov.u32 s31;
	s28 =	sshra.s32 s30, $0x2;
	[sflag:s17] =	ssyncset.done $0x0  }
0x5e: {  	s2 =	sadd.s32 $0x80, s28;
	[sflag:s17] =	ssyncadd.s32 $0xFFFFC000  }
0x5f: {  	[tilespmem:s20], [sflag:$0x2] =	stream.indirect.gather [hbm4b:s1+s19], $0x80, s2, s19, $0xb8;
	[tilespmem:$0x1E800] =	vst v63  }
0x60: {  	_ =	swait.ge [sflag:s21], $0x4000  }
0x61: {  	[sflag:s21] =	ssyncset.done $0x0  }
0x62: {  	s30 =	sadd.s32 $0x1400, s28;
	[sflag:s21] =	ssyncadd.s32 $0xFFFFC000  }
0x63: {  	[spmem:s3] =	stream.indirect.scatter.add.f32 [tilespmem:s16], [sflag:$0x3], $0x80, s30, s19, $0xb8;
	[tilespmem:$0x1E800] =	vst v63  }
0x64: {  	_ =	swait.ge [sflag:s17], $0x4000  }
0x65: {  	[sflag:s17] =	ssyncset.done $0x0  }
0x66: {  	s31 =	sadd.s32 $0x100, s28;
	[sflag:s17] =	ssyncadd.s32 $0xFFFFC000  }
0x67: {  	[tilespmem:s16], [sflag:$0x1] =	stream.indirect.gather [hbm4b:s1+s19], $0x80, s31, s19, $0xb8;
	[tilespmem:$0x1E800] =	vst v63  }
0x68: {  	_ =	swait.ge [sflag:s22], $0x4000  }
0x69: {  	[sflag:s22] =	ssyncset.done $0x0  }
0x6a: {  	s30 =	sadd.s32 $0x1480, s28;
	[sflag:s22] =	ssyncadd.s32 $0xFFFFC000  }
0x6b: {  	[spmem:s3] =	stream.indirect.scatter.add.f32 [tilespmem:s20], [sflag:$0x3], $0x80, s30, s19, $0xb8;
	[tilespmem:$0x1E800] =	vst v63  }
0x6c: {  	_ =	swait.ge [sflag:s17], $0x4000  }
0x6d: {  	[sflag:s17] =	ssyncset.done $0x0  }
0x6e: {  	[sflag:s17] =	ssyncadd.s32 $0xFFFFC000  }
0x6f: {  	[tilespmem:s20], [sflag:$0x2] =	stream.indirect.gather [hbm4b:s1+s19], $0x80, s23, s19, $0xb8;
	[tilespmem:$0x1E800] =	vst v63  }
0x70: {  	_ =	swait.ge [sflag:s21], $0x4000  }
0x71: {  	[sflag:s21] =	ssyncset.done $0x0  }
0x72: {  	[sflag:s21] =	ssyncadd.s32 $0xFFFFC000  }
0x73: {  	[spmem:s3] =	stream.indirect.scatter.add.f32 [tilespmem:s16], [sflag:$0x3], $0x80, s24, s19, $0xb8;
	[tilespmem:$0x1E800] =	vst v63  }
0x74: {  	_ =	swait.ge [sflag:s17], $0x4000  }
0x75: {  	[sflag:s17] =	ssyncset.done $0x0  }
0x76: {  	[sflag:s17] =	ssyncadd.s32 $0xFFFFC000  }
0x77: {  	_ =	swait.ge [sflag:s22], $0x4000  }
0x78: {  	[sflag:s22] =	ssyncset.done $0x0  }
0x79: {  	[sflag:s22] =	ssyncadd.s32 $0xFFFFC000  }
0x7a: {  	[spmem:s3] =	stream.indirect.scatter.add.f32 [tilespmem:s20], [sflag:$0x3], $0x80, s25, s19, $0xb8;
	[tilespmem:$0x1E800] =	vst v63  }
0x7b: {  	_ =	swait.ge [sflag:s17], $0x4000  }
0x7c: {  	[sflag:s17] =	ssyncset.done $0x0  }
0x7d: {  	s31 =	simm.s32 $0x0;
	[sflag:s17] =	ssyncadd.s32 $0xFFFFC000  }
0x7e: {  	[tilespmem:s31], [sflag:$0x3] =	stream.linear.gather [hbm4b:s14+s31], $0x1400, $0x38;
	[tilespmem:$0x1E800] =	vst v63  }
0x7f: {  	_ =	swait.ge [sflag:s17], $0x1400  }
0x80: {  	[sflag:s17] =	ssyncset.done $0x0  }
0x81: {  	[sflag:s17] =	ssyncadd.s32 $0xFFFFEC00  }
0x82: {  	[tilespmem:s18], [sflag:$0x3] =	stream.linear.gather [hbm4b:s15+s31], $0x1400, $0x38;
	[tilespmem:$0x1E800] =	vst v63  }
0x83: {  	_ =	swait.ge [sflag:s17], $0x1400  }
0x84: {  	[sflag:s17] =	ssyncset.done $0x0  }
0x85: {  	[sflag:s17] =	ssyncadd.s32 $0xFFFFEC00  }
0x86: {  	[tilespmem:s16], [sflag:$0x1] =	stream.indirect.gather [hbm4b:s1+s19], $0x80, s31, s19, $0xb8;
	[tilespmem:$0x1E800] =	vst v63  }
0x87: {  	s30 =	simm.s32 $0x80  }
0x88: {  	[tilespmem:s20], [sflag:$0x2] =	stream.indirect.gather [hbm4b:s1+s19], $0x80, s30, s19, $0xb8;
	[tilespmem:$0x1E800] =	vst v63  }
0x89: {  	_ =	swait.ge [sflag:s21], $0x4000  }
0x8a: {  	[sflag:s21] =	ssyncset.done $0x0  }
0x8b: {  	s31 =	simm.s32 $0x1400;
	[sflag:s21] =	ssyncadd.s32 $0xFFFFC000  }
0x8c: {  	[spmem:s3] =	stream.indirect.scatter.add.f32 [tilespmem:s16], [sflag:$0x3], $0x80, s31, s19, $0xb8;
	[tilespmem:$0x1E800] =	vst v63  }
0x8d: {  	_ =	swait.ge [sflag:s17], $0x4000  }
0x8e: {  	[sflag:s17] =	ssyncset.done $0x0  }
0x8f: {  	s30 =	simm.s32 $0x100;
	[sflag:s17] =	ssyncadd.s32 $0xFFFFC000  }
0x90: {  	[tilespmem:s16], [sflag:$0x1] =	stream.indirect.gather [hbm4b:s1+s19], $0x80, s30, s19, $0xb8;
	[tilespmem:$0x1E800] =	vst v63  }
0x91: {  	_ =	swait.ge [sflag:s22], $0x4000  }
0x92: {  	[sflag:s22] =	ssyncset.done $0x0  }
0x93: {  	s31 =	simm.s32 $0x1480;
	[sflag:s22] =	ssyncadd.s32 $0xFFFFC000  }
0x94: {  	[spmem:s3] =	stream.indirect.scatter.add.f32 [tilespmem:s20], [sflag:$0x3], $0x80, s31, s19, $0xb8;
	[tilespmem:$0x1E800] =	vst v63  }
0x95: {  	_ =	swait.ge [sflag:s17], $0x4000  }
0x96: {  	s29 =	simm.s32 $0x800;
	s28 =	simm.s32 $0x100;
	[sflag:s17] =	ssyncset.done $0x0  }
.LBB2_6:
0x97: {  	s2 =	sadd.s32 $0x80, s28  }
0x98: {  	[sflag:s17] =	ssyncadd.s32 $0xFFFFC000;
	s30 =	smov.u32 s29;
	s31 =	sadd.s32 $0x400, s29  }
0x99: {  	[tilespmem:s20], [sflag:$0x2] =	stream.indirect.gather [hbm4b:s1+s19], $0x80, s2, s19, $0xb8;
	[tilespmem:$0x1E800] =	vst v63  }
0x9a: {  	p0 =	sne.s32 s29, $0x4800;
	_ =	swait.ge [sflag:s21], $0x4000  }
0x9b: {  	[sflag:s21] =	ssyncset.done $0x0  }
0x9c: {  	s2 =	sadd.s32 $0x1400, s28;
	[sflag:s21] =	ssyncadd.s32 $0xFFFFC000  }
0x9d: {  	[spmem:s3] =	stream.indirect.scatter.add.f32 [tilespmem:s16], [sflag:$0x3], $0x80, s2, s19, $0xb8;
	[tilespmem:$0x1E800] =	vst v63  }
0x9e: {  	_ =	swait.ge [sflag:s17], $0x4000  }
0x9f: {  	[sflag:s17] =	ssyncset.done $0x0  }
0xa0: {  	s2 =	sadd.s32 $0x100, s28;
	[sflag:s17] =	ssyncadd.s32 $0xFFFFC000  }
0xa1: {  	[tilespmem:s16], [sflag:$0x1] =	stream.indirect.gather [hbm4b:s1+s19], $0x80, s2, s19, $0xb8;
	[tilespmem:$0x1E800] =	vst v63  }
0xa2: {  	_ =	swait.ge [sflag:s22], $0x4000  }
.Ltmp2:
0xa3: {  	[sflag:s22] =	ssyncset.done $0x0;
	(pc) =	sbr.rel @p0 .LBB2_6-.Ltmp2, $4  }
0xa4: {  	s2 =	sadd.s32 $0x1480, s28;
	[sflag:s22] =	ssyncadd.s32 $0xFFFFC000  }
0xa5: {  	[spmem:s3] =	stream.indirect.scatter.add.f32 [tilespmem:s20], [sflag:$0x3], $0x80, s2, s19, $0xb8;
	[tilespmem:$0x1E800] =	vst v63  }
0xa6: {  	_ =	swait.ge [sflag:s17], $0x4000  }
0xa7: {  	s29 =	smov.u32 s31;
	s28 =	sshra.s32 s30, $0x2;
	[sflag:s17] =	ssyncset.done $0x0  }
0xa8: {  	s2 =	sadd.s32 $0x80, s28;
	[sflag:s17] =	ssyncadd.s32 $0xFFFFC000  }
0xa9: {  	[tilespmem:s20], [sflag:$0x2] =	stream.indirect.gather [hbm4b:s1+s19], $0x80, s2, s19, $0xb8;
	[tilespmem:$0x1E800] =	vst v63  }
0xaa: {  	_ =	swait.ge [sflag:s21], $0x4000  }
0xab: {  	[sflag:s21] =	ssyncset.done $0x0  }
0xac: {  	s30 =	sadd.s32 $0x1400, s28;
	[sflag:s21] =	ssyncadd.s32 $0xFFFFC000  }
0xad: {  	[spmem:s3] =	stream.indirect.scatter.add.f32 [tilespmem:s16], [sflag:$0x3], $0x80, s30, s19, $0xb8;
	[tilespmem:$0x1E800] =	vst v63  }
0xae: {  	_ =	swait.ge [sflag:s17], $0x4000  }
0xaf: {  	[sflag:s17] =	ssyncset.done $0x0  }
0xb0: {  	s31 =	sadd.s32 $0x100, s28;
	[sflag:s17] =	ssyncadd.s32 $0xFFFFC000  }
0xb1: {  	[tilespmem:s16], [sflag:$0x1] =	stream.indirect.gather [hbm4b:s1+s19], $0x80, s31, s19, $0xb8;
	[tilespmem:$0x1E800] =	vst v63  }
0xb2: {  	_ =	swait.ge [sflag:s22], $0x4000  }
0xb3: {  	[sflag:s22] =	ssyncset.done $0x0  }
0xb4: {  	s29 =	sadd.s32 $0x1480, s28;
	[sflag:s22] =	ssyncadd.s32 $0xFFFFC000  }
0xb5: {  	[spmem:s3] =	stream.indirect.scatter.add.f32 [tilespmem:s20], [sflag:$0x3], $0x80, s29, s19, $0xb8;
	[tilespmem:$0x1E800] =	vst v63  }
0xb6: {  	_ =	swait.ge [sflag:s17], $0x4000  }
0xb7: {  	[sflag:s17] =	ssyncset.done $0x0  }
0xb8: {  	[sflag:s17] =	ssyncadd.s32 $0xFFFFC000  }
0xb9: {  	[tilespmem:s20], [sflag:$0x2] =	stream.indirect.gather [hbm4b:s1+s19], $0x80, s23, s19, $0xb8;
	[tilespmem:$0x1E800] =	vst v63  }
0xba: {  	_ =	swait.ge [sflag:s21], $0x4000  }
0xbb: {  	[sflag:s21] =	ssyncset.done $0x0  }
0xbc: {  	[sflag:s21] =	ssyncadd.s32 $0xFFFFC000  }
0xbd: {  	[spmem:s3] =	stream.indirect.scatter.add.f32 [tilespmem:s16], [sflag:$0x3], $0x80, s24, s19, $0xb8;
	[tilespmem:$0x1E800] =	vst v63  }
0xbe: {  	_ =	swait.ge [sflag:s17], $0x4000  }
0xbf: {  	[sflag:s17] =	ssyncset.done $0x0  }
0xc0: {  	[sflag:s17] =	ssyncadd.s32 $0xFFFFC000  }
0xc1: {  	_ =	swait.ge [sflag:s22], $0x4000  }
0xc2: {  	[sflag:s22] =	ssyncset.done $0x0  }
0xc3: {  	[sflag:s22] =	ssyncadd.s32 $0xFFFFC000  }
0xc4: {  	[spmem:s3] =	stream.indirect.scatter.add.f32 [tilespmem:s20], [sflag:$0x3], $0x80, s25, s19, $0xb8;
	[tilespmem:$0x1E800] =	vst v63  }
0xc5: {  	_ =	swait.ge [sflag:s17], $0x4000  }
0xc6: {  	s26 =	sadd.s32 $0x1, s26;
	s30 =	sshll.u32 s0, $0x6;
	[sflag:s17] =	ssyncset.done $0x0  }
0xc7: {  	p0 =	sne.s32 s26, s11;
	s2 =	sor.u32 $0x1C03, s30;
	[sflag:s17] =	ssyncadd.s32 $0xFFFFC000  }
.Ltmp3:
0xc8: {  	s31 =	sshrl.u32 s5, $0x3;
	[bflag:$0x0] =	sbarrier.arrive $0xFFFF;
	(pc) =	sbr.rel @p0 .LBB2_1-.Ltmp3, $4  }
0xc9: {  	[hbm:s10], [sflag:s2] =	dma.local [spmem:s31], $0x2800  }
0xca: {  	_ =	swait.ge [sflag:s17], $0x2800  }
0xcb: {  	[sflag:s17] =	ssyncset.done $0x0  }
0xcc: {  	[sflag:s17] =	ssyncadd.s32 $0xFFFFD800  }
0xcd: {  	_ =	sfence.sel $0x180000  }
0xce: {  	[bflag:$0x0] =	sbarrier.arrive $0xFFFF  }
0xcf: {  	_ =	strace $0x90000047  }
0xd0: {  	[bflag:$0x2] =	sbarrier.arrive $0xFFFF  }
0xd1: {  	p0 =	sne.s32 s0, $0x0;
	s0 =	rddreg [dreg:$0x3]  }
0xd2: {  	s0 =	sadd.s32 @!p0 $0x100000, s0  }
0xd3: {  	[sflag:s0] =	ssyncadd.tile.s32 @!p0 $0x1;
	_ =	shalt  }
.Lfunc_end2:
_tile_overlayer_lowered:
.L_overlay_start_2:
0xd4: {  	(tag) =	ssettag $0x2  }
0xd5: {  	s0 =	rddreg [dreg:$0x0];
	s2 =	stileid.u32  }
0xd6: {  	s1 =	rddreg [dreg:$0x1];
	p0 =	sne.s32 s2, $0x0  }
0xd7: {  	s3 =	rddreg [dreg:$0x2];
	[bflag:$0x3] =	sbarrier.arrive $0xFFFF;
	s2 =	simm.s32 @!p0 $0x1C03  }
0xd8: {  	[timem:s3], [sflag:s2] =	dma.local @!p0 [hbm:s0], s1  }
0xd9: {  	s0 =	simm.s32 @!p0 $0x3  }
0xda: {  	_ =	swait.ge @!p0 [sflag:s0], s1  }
0xdb: {  	s1 =	ssub.s32 @!p0 $0x0, s1;
	[sflag:s0] =	ssyncset.done @!p0 $0x0  }
0xdc: {  	[sflag:s0] =	ssyncadd.s32 @!p0 s1  }
0xdd: {  	[bflag:$0x3] =	sbarrier.arrive $0xFFFF  }
0xde: {  	_ =	shalt  }

// kernel: kernel.13.cloned.1.call-start
scs
__scs_entry_jumppad:
0x0: {  	(pc) =	sbr.rel $0x88, $3  }
0x1: {  	(tag) =	ssettag $0x0;
	lr =	simm.s32 $0x1  }
0x2: {  	[smem:$0x3F99] =	sst lr;
	_ =	strace $0xD0000000  }
0x3: {  	_ = 	snop  }
0x4: {  	_ = 	snop  }
0x5: {  	_ = 	snop  }
0x6: {  	_ = 	snop  }
0x7: {  	_ = 	snop  }
__scs_overlays_trampoline_lowered:
0x8: {  	[smem:$0x3FA8] =	sst s0  }
0x9: {  	[smem:$0x3FA9] =	sst s1  }
0xa: {  	[smem:$0x3FAA] =	sst s2  }
0xb: {  	[smem:$0x3FAB] =	sst s3  }
0xc: {  	[smem:$0x3FAC] =	sst s4  }
0xd: {  	[smem:$0x3FAD] =	sst s5  }
0xe: {  	[smem:$0x3FAE] =	sst s6  }
0xf: {  	[smem:$0x3FAF] =	sst s7  }
0x10: {  	[smem:$0x3FB0] =	sst s8  }
0x11: {  	[smem:$0x3FB1] =	sst s9;
	s0 =	simm.s32 @!p0 $0x0  }
0x12: {  	s1 =	sld [smem:$0x3F97];
	s0 =	simm.s32 @p0 $0x1  }
0x13: {  	[smem:$0x3FB2] =	sst s0;
	s0 =	simm.s32 @!p1 $0x0  }
0x14: {  	s2 =	sld [smem:$0x3F96];
	s0 =	simm.s32 @p1 $0x1  }
0x15: {  	[smem:$0x3FB3] =	sst s0;
	s0 =	simm.s32 @!p2 $0x0  }
0x16: {  	s3 =	sld [smem:$0x3FDB];
	s0 =	simm.s32 @p2 $0x1  }
0x17: {  	s4 =	simm.s32 $0x1BF5;
	[smem:$0x3FB5] =	sst s0  }
0x18: {  	s0 =	sld [smem:$0x3F98];
	_ =	swait.ge [sflag:s4], $0x0  }
0x19: {  	s7 =	sld [smem:$0x3F99]  }
0x1a: {  	s8 =	sadd.s32 $0xFFFFE003, lr  }
0x1b: {  	s9 =	sadd.s32 $0xFFFFFEF7, lr;
	s5 =	simm.s32 $0xFFFFFFFF;
	p2 =	slt.u32 s8, $0xFFFFF086  }
0x1c: {  	p1 =	slt.u32 s9, $0xF7A;
	s5 =	simm.s32 @!p2 $0x0  }
0x1d: {  	s5 =	simm.s32 @p1 $0x1;
	p0 =	seq.s32 s7, s2  }
0x1e: {  	s7 =	smul.u32 @!p0 $0xF7A, s2;
	p2 =	seq.s32 @!p0 s5, $0x0  }
0x1f: {  	s9 =	smul.u32 $0xF7A, s1;
	s8 =	simm.s32 @!p0 $0x1BF5;
	p2 =	por !p2, p0  }
0x20: {  	[sflag:s8] =	ssyncset.s32 @!p0 $0xFFFFF086;
	s6 =	sadd.s32 @!p0 s3, s7;
	s7 =	simm.s32 @!p0 $0x108  }
0x21: {  	s3 =	sadd.s32 s3, s9;
	s6 =	sadd.s32 @!p0 $0x88, s6;
	s7 =	simm.s32 @p2 $0x1082  }
0x22: {  	[simem:s7], [sflag:s8] =	dma.local @!p0 [hbm:s6], $0xF7A  }
0x23: {  	s9 =	sor.u32 $0xD0000000, s2;
	s6 =	simm.s32 $0x108;
	_ =	swait.ge @!p0 [sflag:s8], $0x0  }
0x24: {  	s3 =	sadd.s32 $0x88, s3;
	s6 =	simm.s32 @!p1 $0x1082;
	[sflag:s4] =	ssyncset.s32 $0xFFFFF086  }
0x25: {  	[simem:s6], [sflag:s4] =	dma.local [hbm:s3], $0xF7A  }
0x26: {  	[smem:$0x3F99] =	sst s1;
	(tag) =	ssettag s2;
	_ =	strace s9  }
0x27: {  	s1 =	sld [smem:$0x3FA9]  }
0x28: {  	s2 =	sld [smem:$0x3FAA]  }
0x29: {  	s4 =	sld [smem:$0x3FAC]  }
0x2a: {  	p0 =	seq.s32 s5, $0x0;
	s5 =	sld [smem:$0x3FAD]  }
0x2b: {  	s6 =	sld [smem:$0x3FAE]  }
0x2c: {  	s7 =	sld [smem:$0x3FAF]  }
0x2d: {  	s3 =	simm.s32 $0x108;
	s8 =	sld [smem:$0x3FB0]  }
0x2e: {  	s3 =	simm.s32 @!p0 $0x1082;
	s9 =	sld [smem:$0x3FB1]  }
0x2f: {  	lr =	sadd.s32 s0, s3;
	s0 =	sld [smem:$0x3FA8]  }
0x30: {  	s3 =	sld [smem:$0x3FAB]  }
0x31: {  	[smem:$0x3FB4] =	sst s10  }
0x32: {  	s10 =	sld [smem:$0x3FB2];
	_ =	sdelay $0x3  }
0x33: {  	p0 =	seq.s32 s10, $0x1;
	s10 =	sld [smem:$0x3FB4];
	_ =	sdelay $0x3  }
0x34: {  	[smem:$0x3FB4] =	sst s10  }
0x35: {  	s10 =	sld [smem:$0x3FB3];
	_ =	sdelay $0x3  }
0x36: {  	p1 =	seq.s32 s10, $0x1;
	s10 =	sld [smem:$0x3FB4];
	_ =	sdelay $0x3  }
0x37: {  	[smem:$0x3FB4] =	sst s10  }
0x38: {  	s10 =	sld [smem:$0x3FB5]  }
0x39: {  	_ = 	snop;
	(pc) =	sbr.ind lr, $3  }
0x3a: {  	_ = 	snop  }
0x3b: {  	_ = 	snop  }
0x3c: {  	p2 =	seq.s32 s10, $0x1;
	s10 =	sld [smem:$0x3FB4]  }
0x3d: {  	_ =	shalt  }
0x3e: {  	_ =	shalt  }
0x3f: {  	_ =	shalt  }
0x40: {  	_ =	shalt  }
0x41: {  	_ =	shalt  }
0x42: {  	_ =	shalt  }
0x43: {  	_ =	shalt  }
0x44: {  	_ =	shalt  }
0x45: {  	_ =	shalt  }
0x46: {  	_ =	shalt  }
0x47: {  	_ =	shalt  }
0x48: {  	_ =	shalt  }
0x49: {  	_ =	shalt  }
0x4a: {  	_ =	shalt  }
0x4b: {  	_ =	shalt  }
0x4c: {  	_ =	shalt  }
0x4d: {  	_ =	shalt  }
0x4e: {  	_ =	shalt  }
0x4f: {  	_ =	shalt  }
0x50: {  	_ =	shalt  }
0x51: {  	_ =	shalt  }
0x52: {  	_ =	shalt  }
0x53: {  	_ =	shalt  }
0x54: {  	_ =	shalt  }
0x55: {  	_ =	shalt  }
0x56: {  	_ =	shalt  }
0x57: {  	_ =	shalt  }
0x58: {  	_ =	shalt  }
0x59: {  	_ =	shalt  }
0x5a: {  	_ =	shalt  }
0x5b: {  	_ =	shalt  }
0x5c: {  	_ =	shalt  }
0x5d: {  	_ =	shalt  }
0x5e: {  	_ =	shalt  }
0x5f: {  	_ =	shalt  }
0x60: {  	_ =	shalt  }
0x61: {  	_ =	shalt  }
0x62: {  	_ =	shalt  }
0x63: {  	_ =	shalt  }
0x64: {  	_ =	shalt  }
0x65: {  	_ =	shalt  }
0x66: {  	_ =	shalt  }
0x67: {  	_ =	shalt  }
0x68: {  	_ =	shalt  }
0x69: {  	_ =	shalt  }
0x6a: {  	_ =	shalt  }
0x6b: {  	_ =	shalt  }
0x6c: {  	_ =	shalt  }
0x6d: {  	_ =	shalt  }
0x6e: {  	_ =	shalt  }
0x6f: {  	_ =	shalt  }
0x70: {  	_ =	shalt  }
0x71: {  	_ =	shalt  }
0x72: {  	_ =	shalt  }
0x73: {  	_ =	shalt  }
0x74: {  	_ =	shalt  }
0x75: {  	_ =	shalt  }
0x76: {  	_ =	shalt  }
0x77: {  	_ =	shalt  }
0x78: {  	_ =	shalt  }
0x79: {  	_ =	shalt  }
0x7a: {  	_ =	shalt  }
0x7b: {  	_ =	shalt  }
0x7c: {  	_ =	shalt  }
0x7d: {  	_ =	shalt  }
0x7e: {  	_ =	shalt  }
0x7f: {  	_ =	shalt  }
0x80: {  	_ =	shalt  }
0x81: {  	_ =	shalt  }
0x82: {  	_ =	shalt  }
0x83: {  	_ =	shalt  }
0x84: {  	_ =	shalt  }
0x85: {  	_ =	shalt  }
0x86: {  	_ =	shalt  }
0x87: {  	_ =	shalt  }
.Lfunc_end0:
.L_simem_size_0:
called_computation.2_lowered:
.L_overlay_start_0:
0x88: {  	s2 =	sld [smem:$0x3FD9]  }
0x89: {  	s3 =	sld [smem:$0x3FFE];
	_ =	sdelay $0x1  }
0x8a: {  	s1 =	srdreg.scid  }
0x8b: {  	s0 =	sand.u32 $0x1, s1  }
0x8c: {  	s17 =	sshll.u32 s0, $0xA;
	s2 =	sadd.s32 s3, s2  }
0x8d: {  	s2 =	sadd.s32 s2, s17  }
0x8e: {  	[smem:$0x3FC0] =	sst s2  }
0x8f: {  	_ = 	snop  }
0x90: {  	s2 =	sld [smem:$0x3FD0];
	(tm) =	ssettm $0x1  }
0x91: {  	s18 =	sld [smem:$0x3FFB];
	_ =	sdelay $0x3  }
0x92: {  	_ =	strace s18  }
0x93: {  	s3 =	sld [smem:$0x3FFC];
	_ =	sdelay $0x3  }
0x94: {  	_ =	strace s3  }
0x95: {  	s3 =	sld [smem:$0x3FFD];
	_ =	sdelay $0x3  }
0x96: {  	_ =	strace s3  }
0x97: {  	_ =	strace $0x8FFFFFFF  }
0x98: {  	s19 =	sld [smem:$0x3FDB];
	_ =	sdelay $0x1  }
0x99: {  	s4 =	simm.s32 $_scs_section_size  }
0x9a: {  	s5 =	simm.s32 $_size__tile_overlayer_lowered;
	s6 =	simm.s32 $_tile_overlayer_lowered  }
0x9b: {  	s22 =	simm.s32 $0x1BFF;
	s21 =	sshll.u32 s6, $0x1;
	s3 =	sadd.s32 s4, s19  }
0x9c: {  	s7 =	simm.s32 $0x0;
	s20 =	sshll.u32 s5, $0x1;
	s5 =	sadd.s32 s21, s3  }
0x9d: {  	[timem:s7], [sflag:s22] =	dma.local [hbm:s5], s20  }
0x9e: {  	_ =	swait.ge [sflag:s22], s20  }
0x9f: {  	s4 =	ssub.s32 $0x0, s20;
	[sflag:s22] =	ssyncset.done $0x0  }
0xa0: {  	[sflag:s22] =	ssyncadd.s32 s4;
	_ =	sdelay $0x1  }
0xa1: {  	s23 =	simm.s32 $0x1B8B  }
0xa2: {  	_ =	swait.ge [sflag:s23], $0x1  }
0xa3: {  	[sflag:s23] =	ssyncset.done $0x0  }
0xa4: {  	s25 =	simm.s32 $0x1B8E;
	s24 =	sld [smem:$0x3FFE];
	[sflag:s23] =	ssyncadd.s32 $0xFFFFFFFF  }
0xa5: {  	s26 =	simm.s32 $execute0_lowered;
	[smem:$0x3FD2] =	sst s25  }
0xa6: {  	s5 =	sshll.u32 s26, $0x1;
	_ =	strace $0x8000004C;
	[dreg:$0x1] =	wrdreg $0xFFFFFFFF  }
0xa7: {  	s28 =	simm.s32 $_size_execute0_lowered;
	s3 =	sadd.s32 s3, s5;
	[dreg:$0x0] =	wrdreg $0x0  }
0xa8: {  	s5 =	sshll.u32 s28, $0x1;
	[dreg:$0x2] =	wrdreg s3  }
0xa9: {  	[dreg:$0x3] =	wrdreg s5  }
0xaa: {  	[dreg:$0x4] =	wrdreg $0xC0  }
0xab: {  	_ =	task [dreg:s7], $0x5FFFF  }
0xac: {  	[dreg:$0x1] =	wrdreg $0xFFFFFFFF  }
0xad: {  	[dreg:$0x0] =	wrdreg $0x60  }
0xae: {  	[dreg:$0x2] =	wrdreg s2  }
0xaf: {  	[dreg:$0x3] =	wrdreg s24  }
0xb0: {  	[dreg:$0x4] =	wrdreg $0xA8000  }
0xb1: {  	[dreg:$0x5] =	wrdreg $0x9  }
0xb2: {  	_ =	task.clear_ibuf [dreg:s7], $0x6FFFF;
	_ =	strace $0x9000004C  }
0xb3: {  	s29 =	simm.s32 $0x9;
	_ =	strace $0x8000004E  }
0xb4: {  	_ =	swait.ge [sflag:s29], $0x1  }
0xb5: {  	[sflag:s29] =	ssyncadd.s32 $0xFFFFFFFF  }
0xb6: {  	_ =	strace $0x9000004E  }
0xb7: {  	_ =	sfence  }
0xb8: {  	s30 =	sld [smem:$0x0];
	_ =	sdelay $0x2  }
0xb9: {  	s31 =	sshll.u32 s1, $0xD;
	s1 =	sshrl.u32 s1, $0x2  }
0xba: {  	s3 =	sand.u32 $0x4000, s31;
	s1 =	sadd.s32 s1, s30  }
0xbb: {  	s0 =	sor.u32 s3, s0;
	s1 =	sshll.u32 s1, $0x11  }
0xbc: {  	s0 =	sor.u32 s1, s0  }
0xbd: {  	s0 =	sadd.s32 $0x8F2B, s0  }
0xbe: {  	[sflag:s0] =	ssyncadd.remote.s32 $0x1  }
0xbf: {  	_ =	sfence.sel $0xFFFF  }
0xc0: {  	[dreg:$0x0] =	wrdreg $0xFFFFFFFF;
	(pc) =	sbr.abs _section_cstart, $3  }
0xc1: {  	[dreg:$0x1] =	wrdreg $0xFFFFFFFF  }
0xc2: {  	_ =	task.clear_ibuf [dreg:s7], $0x2FFFF;
	_ =	strace $0x9FFFFFFF  }
0xc3: {  	(tm) =	ssettm $0x7FFFFFFF  }
tec
execute0_lowered:
.L_overlay_start_1:
0x0: {  	(tag) =	ssettag $0x1  }
0x1: {  	s1 =	rddreg [dreg:$0x0]  }
0x2: {  	s0 =	srdreg.scid;
	s5 =	rddreg [dreg:$0x1]  }
0x3: {  	s3 =	rddreg [dreg:$0x2];
	s4 =	simm.s32 $0x0;
	s16 =	simm.s32 $0x2800  }
0x4: {  	s17 =	simm.s32 $0x3;
	s18 =	simm.s32 $0x1400;
	s6 =	sand.u32 $0x1, s0  }
0x5: {  	s19 =	simm.s32 $0x80;
	s0 =	stileid.u32;
	s7 =	smul.u32 $0x28000, s6  }
0x6: {  	s20 =	simm.s32 $0x6800;
	s21 =	simm.s32 $0x1;
	s8 =	smul.u32 $0x2800, s0  }
0x7: {  	s22 =	simm.s32 $0x2;
	s23 =	simm.s32 $0x1380;
	s9 =	smul.u32 $0x140000, s6  }
0x8: {  	s24 =	simm.s32 $0x2700;
	s25 =	simm.s32 $0x2780;
	s10 =	smul.u32 $0x14000, s0  }
0x9: {  	[smem:$0x7FF] =	sst s4;
	s28 =	smul.u32 $0x50000, s0;
	s6 =	ssub.s32 $0x2, s6  }
0xa: {  	_ =	strace $0x8000004D;
	s30 =	sshrl.u32 s6, $0x1;
	s7 =	sadd.s32 s7, s8  }
0xb: {  	s26 =	sshrl.u32 s8, $0x3;
	s29 =	sadd.s32 s10, s9;
	s8 =	sshrl.u32 s28, $0x2  }
0xc: {  	s11 =	ssub.s32 s6, s30;
	s7 =	sshrl.u32 s7, $0x3;
	s15 =	sadd.s32 s26, s5  }
0xd: {  	s11 =	smax.u32 s11, $0x1;
	s26 =	simm.s32 $0x0;
	s14 =	sadd.s32 s7, s5  }
0xe: {  	s7 =	sshrl.u32 s29, $0x3;
	s13 =	sadd.s32 $0x3000, s15;
	s15 =	sadd.s32 $0x3280, s15  }
0xf: {  	s31 =	sadd.s32 s7, s5;
	s5 =	sadd.s32 s8, s3;
	s12 =	sadd.s32 $0x8000, s14  }
0x10: {  	s14 =	sadd.s32 $0x8280, s14;
	s6 =	sadd.s32 $0x4000, s5;
	s7 =	sadd.s32 $0x8000, s5  }
0x11: {  	v0 =	vimm.f32 $0.0e+00;
	s8 =	sadd.s32 $0xC000, s5;
	s9 =	sadd.s32 $0x10000, s5;
	s10 =	sadd.s32 $0x12000, s31  }
.LBB2_1:
0x12: {  	s28 =	simm.s32 $0x0  }
0x13: {  	s29 =	sand.u32 $0xFFFFFF80, s28  }
0x14: {  	s29 =	ssub.s32 $0x0, s29  }
0x15: {  	s28 =	sand.u32 $0x3FFFFF80, s28;
	s29 =	sand.u32 $0xFFFFFF80, s29  }
0x16: {  	s30 =	sand.u32 $0x70, s4;
	s29 =	sadd.s32 s29, s28  }
0x17: {  	s28 =	simm.s32 $0x1;
	s30 =	sor.u32 s30, s29;
	s29 =	simm.s32 $0x0  }
.LBB2_2:
0x18: {  	s31 =	sshll.u32 s28, $0x4;
	p0 =	sne.s32 s28, $0x3FF;
	s28 =	sadd.s32 $0x1, s28;
	[tilespmem:s30+$0x2800] =	vst v0  }
.Ltmp0:
0x19: {  	s29 =	sadd.s32 $0x10, s29;
	s30 =	sand.u32 $0xFFFFFF80, s31;
	(pc) =	sbr.rel @p0 .LBB2_2-.Ltmp0, $4  }
0x1a: {  	s30 =	ssub.s32 s29, s30  }
0x1b: {  	s31 =	sand.u32 $0x3FFFFF80, s31;
	s30 =	sand.u32 $0xFFFFFF80, s30  }
0x1c: {  	s2 =	sand.u32 $0x70, s29;
	s30 =	sadd.s32 s30, s31  }
0x1d: {  	s30 =	sor.u32 s2, s30  }
0x1e: {  	[tilespmem:s30+$0x2800] =	vst v0  }
0x1f: {  	[spmem:s5] =	stream.linear.scatter [tilespmem:s16], [sflag:$0x3], $0x4000, $0x38;
	[tilespmem:$0x1E800] =	vst v63  }
0x20: {  	_ =	swait.ge [sflag:s17], $0x4000  }
0x21: {  	[sflag:s17] =	ssyncset.done $0x0  }
0x22: {  	[sflag:s17] =	ssyncadd.s32 $0xFFFFC000  }
0x23: {  	[spmem:s6] =	stream.linear.scatter [tilespmem:s16], [sflag:$0x3], $0x4000, $0x38;
	[tilespmem:$0x1E800] =	vst v63  }
0x24: {  	_ =	swait.ge [sflag:s17], $0x4000  }
0x25: {  	[sflag:s17] =	ssyncset.done $0x0  }
0x26: {  	[sflag:s17] =	ssyncadd.s32 $0xFFFFC000  }
0x27: {  	[spmem:s7] =	stream.linear.scatter [tilespmem:s16], [sflag:$0x3], $0x4000, $0x38;
	[tilespmem:$0x1E800] =	vst v63  }
0x28: {  	_ =	swait.ge [sflag:s17], $0x4000  }
0x29: {  	[sflag:s17] =	ssyncset.done $0x0  }
0x2a: {  	[sflag:s17] =	ssyncadd.s32 $0xFFFFC000  }
0x2b: {  	[spmem:s8] =	stream.linear.scatter [tilespmem:s16], [sflag:$0x3], $0x4000, $0x38;
	[tilespmem:$0x1E800] =	vst v63  }
0x2c: {  	_ =	swait.ge [sflag:s17], $0x4000  }
0x2d: {  	[sflag:s17] =	ssyncset.done $0x0  }
0x2e: {  	[sflag:s17] =	ssyncadd.s32 $0xFFFFC000  }
0x2f: {  	[spmem:s9] =	stream.linear.scatter [tilespmem:s16], [sflag:$0x3], $0x4000, $0x38;
	[tilespmem:$0x1E800] =	vst v63  }
0x30: {  	_ =	swait.ge [sflag:s17], $0x4000  }
0x31: {  	[sflag:s17] =	ssyncset.done $0x0  }
0x32: {  	[sflag:s17] =	ssyncadd.s32 $0xFFFFC000  }
0x33: {  	s2 =	simm.s32 $0x0;
	[bflag:$0x0] =	sbarrier.arrive $0xFFFF  }
0x34: {  	[tilespmem:s2], [sflag:$0x3] =	stream.linear.gather [hbm4b:s12+s2], $0x1400, $0x38;
	[tilespmem:$0x1E800] =	vst v63  }
0x35: {  	_ =	swait.ge [sflag:s17], $0x1400  }
0x36: {  	[sflag:s17] =	ssyncset.done $0x0  }
0x37: {  	[sflag:s17] =	ssyncadd.s32 $0xFFFFEC00  }
0x38: {  	[tilespmem:s18], [sflag:$0x3] =	stream.linear.gather [hbm4b:s13+s2], $0x1400, $0x38;
	[tilespmem:$0x1E800] =	vst v63  }
0x39: {  	_ =	swait.ge [sflag:s17], $0x1400  }
0x3a: {  	[sflag:s17] =	ssyncset.done $0x0  }
0x3b: {  	[sflag:s17] =	ssyncadd.s32 $0xFFFFEC00  }
0x3c: {  	[tilespmem:s16], [sflag:$0x1] =	stream.indirect.gather [hbm4b:s1+s19], $0x80, s2, s19, $0xb8;
	[tilespmem:$0x1E800] =	vst v63  }
0x3d: {  	s30 =	simm.s32 $0x80  }
0x3e: {  	[tilespmem:s20], [sflag:$0x2] =	stream.indirect.gather [hbm4b:s1+s19], $0x80, s30, s19, $0xb8;
	[tilespmem:$0x1E800] =	vst v63  }
0x3f: {  	_ =	swait.ge [sflag:s21], $0x4000  }
0x40: {  	[sflag:s21] =	ssyncset.done $0x0  }
0x41: {  	s31 =	simm.s32 $0x1400;
	[sflag:s21] =	ssyncadd.s32 $0xFFFFC000  }
0x42: {  	[spmem:s3] =	stream.indirect.scatter.add.f32 [tilespmem:s16], [sflag:$0x3], $0x80, s31, s19, $0xb8;
	[tilespmem:$0x1E800] =	vst v63  }
0x43: {  	_ =	swait.ge [sflag:s17], $0x4000  }
0x44: {  	[sflag:s17] =	ssyncset.done $0x0  }
0x45: {  	s30 =	simm.s32 $0x100;
	[sflag:s17] =	ssyncadd.s32 $0xFFFFC000  }
0x46: {  	[tilespmem:s16], [sflag:$0x1] =	stream.indirect.gather [hbm4b:s1+s19], $0x80, s30, s19, $0xb8;
	[tilespmem:$0x1E800] =	vst v63  }
0x47: {  	_ =	swait.ge [sflag:s22], $0x4000  }
0x48: {  	[sflag:s22] =	ssyncset.done $0x0  }
0x49: {  	s31 =	simm.s32 $0x1480;
	[sflag:s22] =	ssyncadd.s32 $0xFFFFC000  }
0x4a: {  	[spmem:s3] =	stream.indirect.scatter.add.f32 [tilespmem:s20], [sflag:$0x3], $0x80, s31, s19, $0xb8;
	[tilespmem:$0x1E800] =	vst v63  }
0x4b: {  	_ =	swait.ge [sflag:s17], $0x4000  }
0x4c: {  	s29 =	simm.s32 $0x800;
	s28 =	simm.s32 $0x100;
	[sflag:s17] =	ssyncset.done $0x0  }
.LBB2_4:
0x4d: {  	s2 =	sadd.s32 $0x80, s28  }
0x4e: {  	[sflag:s17] =	ssyncadd.s32 $0xFFFFC000;
	s30 =	smov.u32 s29;
	s31 =	sadd.s32 $0x400, s29  }
0x4f: {  	[tilespmem:s20], [sflag:$0x2] =	stream.indirect.gather [hbm4b:s1+s19], $0x80, s2, s19, $0xb8;
	[tilespmem:$0x1E800] =	vst v63  }
0x50: {  	p0 =	sne.s32 s29, $0x4800;
	_ =	swait.ge [sflag:s21], $0x4000  }
0x51: {  	[sflag:s21] =	ssyncset.done $0x0  }
0x52: {  	s2 =	sadd.s32 $0x1400, s28;
	[sflag:s21] =	ssyncadd.s32 $0xFFFFC000  }
0x53: {  	[spmem:s3] =	stream.indirect.scatter.add.f32 [tilespmem:s16], [sflag:$0x3], $0x80, s2, s19, $0xb8;
	[tilespmem:$0x1E800] =	vst v63  }
0x54: {  	_ =	swait.ge [sflag:s17], $0x4000  }
0x55: {  	[sflag:s17] =	ssyncset.done $0x0  }
0x56: {  	s2 =	sadd.s32 $0x100, s28;
	[sflag:s17] =	ssyncadd.s32 $0xFFFFC000  }
0x57: {  	[tilespmem:s16], [sflag:$0x1] =	stream.indirect.gather [hbm4b:s1+s19], $0x80, s2, s19, $0xb8;
	[tilespmem:$0x1E800] =	vst v63  }
0x58: {  	_ =	swait.ge [sflag:s22], $0x4000  }
.Ltmp1:
0x59: {  	[sflag:s22] =	ssyncset.done $0x0;
	(pc) =	sbr.rel @p0 .LBB2_4-.Ltmp1, $4  }
0x5a: {  	s2 =	sadd.s32 $0x1480, s28;
	[sflag:s22] =	ssyncadd.s32 $0xFFFFC000  }
0x5b: {  	[spmem:s3] =	stream.indirect.scatter.add.f32 [tilespmem:s20], [sflag:$0x3], $0x80, s2, s19, $0xb8;
	[tilespmem:$0x1E800] =	vst v63  }
0x5c: {  	_ =	swait.ge [sflag:s17], $0x4000  }
0x5d: {  	s29 =	smov.u32 s31;
	s28 =	sshra.s32 s30, $0x2;
	[sflag:s17] =	ssyncset.done $0x0  }
0x5e: {  	s2 =	sadd.s32 $0x80, s28;
	[sflag:s17] =	ssyncadd.s32 $0xFFFFC000  }
0x5f: {  	[tilespmem:s20], [sflag:$0x2] =	stream.indirect.gather [hbm4b:s1+s19], $0x80, s2, s19, $0xb8;
	[tilespmem:$0x1E800] =	vst v63  }
0x60: {  	_ =	swait.ge [sflag:s21], $0x4000  }
0x61: {  	[sflag:s21] =	ssyncset.done $0x0  }
0x62: {  	s30 =	sadd.s32 $0x1400, s28;
	[sflag:s21] =	ssyncadd.s32 $0xFFFFC000  }
0x63: {  	[spmem:s3] =	stream.indirect.scatter.add.f32 [tilespmem:s16], [sflag:$0x3], $0x80, s30, s19, $0xb8;
	[tilespmem:$0x1E800] =	vst v63  }
0x64: {  	_ =	swait.ge [sflag:s17], $0x4000  }
0x65: {  	[sflag:s17] =	ssyncset.done $0x0  }
0x66: {  	s31 =	sadd.s32 $0x100, s28;
	[sflag:s17] =	ssyncadd.s32 $0xFFFFC000  }
0x67: {  	[tilespmem:s16], [sflag:$0x1] =	stream.indirect.gather [hbm4b:s1+s19], $0x80, s31, s19, $0xb8;
	[tilespmem:$0x1E800] =	vst v63  }
0x68: {  	_ =	swait.ge [sflag:s22], $0x4000  }
0x69: {  	[sflag:s22] =	ssyncset.done $0x0  }
0x6a: {  	s30 =	sadd.s32 $0x1480, s28;
	[sflag:s22] =	ssyncadd.s32 $0xFFFFC000  }
0x6b: {  	[spmem:s3] =	stream.indirect.scatter.add.f32 [tilespmem:s20], [sflag:$0x3], $0x80, s30, s19, $0xb8;
	[tilespmem:$0x1E800] =	vst v63  }
0x6c: {  	_ =	swait.ge [sflag:s17], $0x4000  }
0x6d: {  	[sflag:s17] =	ssyncset.done $0x0  }
0x6e: {  	[sflag:s17] =	ssyncadd.s32 $0xFFFFC000  }
0x6f: {  	[tilespmem:s20], [sflag:$0x2] =	stream.indirect.gather [hbm4b:s1+s19], $0x80, s23, s19, $0xb8;
	[tilespmem:$0x1E800] =	vst v63  }
0x70: {  	_ =	swait.ge [sflag:s21], $0x4000  }
0x71: {  	[sflag:s21] =	ssyncset.done $0x0  }
0x72: {  	[sflag:s21] =	ssyncadd.s32 $0xFFFFC000  }
0x73: {  	[spmem:s3] =	stream.indirect.scatter.add.f32 [tilespmem:s16], [sflag:$0x3], $0x80, s24, s19, $0xb8;
	[tilespmem:$0x1E800] =	vst v63  }
0x74: {  	_ =	swait.ge [sflag:s17], $0x4000  }
0x75: {  	[sflag:s17] =	ssyncset.done $0x0  }
0x76: {  	[sflag:s17] =	ssyncadd.s32 $0xFFFFC000  }
0x77: {  	_ =	swait.ge [sflag:s22], $0x4000  }
0x78: {  	[sflag:s22] =	ssyncset.done $0x0  }
0x79: {  	[sflag:s22] =	ssyncadd.s32 $0xFFFFC000  }
0x7a: {  	[spmem:s3] =	stream.indirect.scatter.add.f32 [tilespmem:s20], [sflag:$0x3], $0x80, s25, s19, $0xb8;
	[tilespmem:$0x1E800] =	vst v63  }
0x7b: {  	_ =	swait.ge [sflag:s17], $0x4000  }
0x7c: {  	[sflag:s17] =	ssyncset.done $0x0  }
0x7d: {  	s31 =	simm.s32 $0x0;
	[sflag:s17] =	ssyncadd.s32 $0xFFFFC000  }
0x7e: {  	[tilespmem:s31], [sflag:$0x3] =	stream.linear.gather [hbm4b:s14+s31], $0x1400, $0x38;
	[tilespmem:$0x1E800] =	vst v63  }
0x7f: {  	_ =	swait.ge [sflag:s17], $0x1400  }
0x80: {  	[sflag:s17] =	ssyncset.done $0x0  }
0x81: {  	[sflag:s17] =	ssyncadd.s32 $0xFFFFEC00  }
0x82: {  	[tilespmem:s18], [sflag:$0x3] =	stream.linear.gather [hbm4b:s15+s31], $0x1400, $0x38;
	[tilespmem:$0x1E800] =	vst v63  }
0x83: {  	_ =	swait.ge [sflag:s17], $0x1400  }
0x84: {  	[sflag:s17] =	ssyncset.done $0x0  }
0x85: {  	[sflag:s17] =	ssyncadd.s32 $0xFFFFEC00  }
0x86: {  	[tilespmem:s16], [sflag:$0x1] =	stream.indirect.gather [hbm4b:s1+s19], $0x80, s31, s19, $0xb8;
	[tilespmem:$0x1E800] =	vst v63  }
0x87: {  	s30 =	simm.s32 $0x80  }
0x88: {  	[tilespmem:s20], [sflag:$0x2] =	stream.indirect.gather [hbm4b:s1+s19], $0x80, s30, s19, $0xb8;
	[tilespmem:$0x1E800] =	vst v63  }
0x89: {  	_ =	swait.ge [sflag:s21], $0x4000  }
0x8a: {  	[sflag:s21] =	ssyncset.done $0x0  }
0x8b: {  	s31 =	simm.s32 $0x1400;
	[sflag:s21] =	ssyncadd.s32 $0xFFFFC000  }
0x8c: {  	[spmem:s3] =	stream.indirect.scatter.add.f32 [tilespmem:s16], [sflag:$0x3], $0x80, s31, s19, $0xb8;
	[tilespmem:$0x1E800] =	vst v63  }
0x8d: {  	_ =	swait.ge [sflag:s17], $0x4000  }
0x8e: {  	[sflag:s17] =	ssyncset.done $0x0  }
0x8f: {  	s30 =	simm.s32 $0x100;
	[sflag:s17] =	ssyncadd.s32 $0xFFFFC000  }
0x90: {  	[tilespmem:s16], [sflag:$0x1] =	stream.indirect.gather [hbm4b:s1+s19], $0x80, s30, s19, $0xb8;
	[tilespmem:$0x1E800] =	vst v63  }
0x91: {  	_ =	swait.ge [sflag:s22], $0x4000  }
0x92: {  	[sflag:s22] =	ssyncset.done $0x0  }
0x93: {  	s31 =	simm.s32 $0x1480;
	[sflag:s22] =	ssyncadd.s32 $0xFFFFC000  }
0x94: {  	[spmem:s3] =	stream.indirect.scatter.add.f32 [tilespmem:s20], [sflag:$0x3], $0x80, s31, s19, $0xb8;
	[tilespmem:$0x1E800] =	vst v63  }
0x95: {  	_ =	swait.ge [sflag:s17], $0x4000  }
0x96: {  	s29 =	simm.s32 $0x800;
	s28 =	simm.s32 $0x100;
	[sflag:s17] =	ssyncset.done $0x0  }
.LBB2_6:
0x97: {  	s2 =	sadd.s32 $0x80, s28  }
0x98: {  	[sflag:s17] =	ssyncadd.s32 $0xFFFFC000;
	s30 =	smov.u32 s29;
	s31 =	sadd.s32 $0x400, s29  }
0x99: {  	[tilespmem:s20], [sflag:$0x2] =	stream.indirect.gather [hbm4b:s1+s19], $0x80, s2, s19, $0xb8;
	[tilespmem:$0x1E800] =	vst v63  }
0x9a: {  	p0 =	sne.s32 s29, $0x4800;
	_ =	swait.ge [sflag:s21], $0x4000  }
0x9b: {  	[sflag:s21] =	ssyncset.done $0x0  }
0x9c: {  	s2 =	sadd.s32 $0x1400, s28;
	[sflag:s21] =	ssyncadd.s32 $0xFFFFC000  }
0x9d: {  	[spmem:s3] =	stream.indirect.scatter.add.f32 [tilespmem:s16], [sflag:$0x3], $0x80, s2, s19, $0xb8;
	[tilespmem:$0x1E800] =	vst v63  }
0x9e: {  	_ =	swait.ge [sflag:s17], $0x4000  }
0x9f: {  	[sflag:s17] =	ssyncset.done $0x0  }
0xa0: {  	s2 =	sadd.s32 $0x100, s28;
	[sflag:s17] =	ssyncadd.s32 $0xFFFFC000  }
0xa1: {  	[tilespmem:s16], [sflag:$0x1] =	stream.indirect.gather [hbm4b:s1+s19], $0x80, s2, s19, $0xb8;
	[tilespmem:$0x1E800] =	vst v63  }
0xa2: {  	_ =	swait.ge [sflag:s22], $0x4000  }
.Ltmp2:
0xa3: {  	[sflag:s22] =	ssyncset.done $0x0;
	(pc) =	sbr.rel @p0 .LBB2_6-.Ltmp2, $4  }
0xa4: {  	s2 =	sadd.s32 $0x1480, s28;
	[sflag:s22] =	ssyncadd.s32 $0xFFFFC000  }
0xa5: {  	[spmem:s3] =	stream.indirect.scatter.add.f32 [tilespmem:s20], [sflag:$0x3], $0x80, s2, s19, $0xb8;
	[tilespmem:$0x1E800] =	vst v63  }
0xa6: {  	_ =	swait.ge [sflag:s17], $0x4000  }
0xa7: {  	s29 =	smov.u32 s31;
	s28 =	sshra.s32 s30, $0x2;
	[sflag:s17] =	ssyncset.done $0x0  }
0xa8: {  	s2 =	sadd.s32 $0x80, s28;
	[sflag:s17] =	ssyncadd.s32 $0xFFFFC000  }
0xa9: {  	[tilespmem:s20], [sflag:$0x2] =	stream.indirect.gather [hbm4b:s1+s19], $0x80, s2, s19, $0xb8;
	[tilespmem:$0x1E800] =	vst v63  }
0xaa: {  	_ =	swait.ge [sflag:s21], $0x4000  }
0xab: {  	[sflag:s21] =	ssyncset.done $0x0  }
0xac: {  	s30 =	sadd.s32 $0x1400, s28;
	[sflag:s21] =	ssyncadd.s32 $0xFFFFC000  }
0xad: {  	[spmem:s3] =	stream.indirect.scatter.add.f32 [tilespmem:s16], [sflag:$0x3], $0x80, s30, s19, $0xb8;
	[tilespmem:$0x1E800] =	vst v63  }
0xae: {  	_ =	swait.ge [sflag:s17], $0x4000  }
0xaf: {  	[sflag:s17] =	ssyncset.done $0x0  }
0xb0: {  	s31 =	sadd.s32 $0x100, s28;
	[sflag:s17] =	ssyncadd.s32 $0xFFFFC000  }
0xb1: {  	[tilespmem:s16], [sflag:$0x1] =	stream.indirect.gather [hbm4b:s1+s19], $0x80, s31, s19, $0xb8;
	[tilespmem:$0x1E800] =	vst v63  }
0xb2: {  	_ =	swait.ge [sflag:s22], $0x4000  }
0xb3: {  	[sflag:s22] =	ssyncset.done $0x0  }
0xb4: {  	s29 =	sadd.s32 $0x1480, s28;
	[sflag:s22] =	ssyncadd.s32 $0xFFFFC000  }
0xb5: {  	[spmem:s3] =	stream.indirect.scatter.add.f32 [tilespmem:s20], [sflag:$0x3], $0x80, s29, s19, $0xb8;
	[tilespmem:$0x1E800] =	vst v63  }
0xb6: {  	_ =	swait.ge [sflag:s17], $0x4000  }
0xb7: {  	[sflag:s17] =	ssyncset.done $0x0  }
0xb8: {  	[sflag:s17] =	ssyncadd.s32 $0xFFFFC000  }
0xb9: {  	[tilespmem:s20], [sflag:$0x2] =	stream.indirect.gather [hbm4b:s1+s19], $0x80, s23, s19, $0xb8;
	[tilespmem:$0x1E800] =	vst v63  }
0xba: {  	_ =	swait.ge [sflag:s21], $0x4000  }
0xbb: {  	[sflag:s21] =	ssyncset.done $0x0  }
0xbc: {  	[sflag:s21] =	ssyncadd.s32 $0xFFFFC000  }
0xbd: {  	[spmem:s3] =	stream.indirect.scatter.add.f32 [tilespmem:s16], [sflag:$0x3], $0x80, s24, s19, $0xb8;
	[tilespmem:$0x1E800] =	vst v63  }
0xbe: {  	_ =	swait.ge [sflag:s17], $0x4000  }
0xbf: {  	[sflag:s17] =	ssyncset.done $0x0  }
0xc0: {  	[sflag:s17] =	ssyncadd.s32 $0xFFFFC000  }
0xc1: {  	_ =	swait.ge [sflag:s22], $0x4000  }
0xc2: {  	[sflag:s22] =	ssyncset.done $0x0  }
0xc3: {  	[sflag:s22] =	ssyncadd.s32 $0xFFFFC000  }
0xc4: {  	[spmem:s3] =	stream.indirect.scatter.add.f32 [tilespmem:s20], [sflag:$0x3], $0x80, s25, s19, $0xb8;
	[tilespmem:$0x1E800] =	vst v63  }
0xc5: {  	_ =	swait.ge [sflag:s17], $0x4000  }
0xc6: {  	s26 =	sadd.s32 $0x1, s26;
	s30 =	sshll.u32 s0, $0x6;
	[sflag:s17] =	ssyncset.done $0x0  }
0xc7: {  	p0 =	sne.s32 s26, s11;
	s2 =	sor.u32 $0x1C03, s30;
	[sflag:s17] =	ssyncadd.s32 $0xFFFFC000  }
.Ltmp3:
0xc8: {  	s31 =	sshrl.u32 s5, $0x3;
	[bflag:$0x0] =	sbarrier.arrive $0xFFFF;
	(pc) =	sbr.rel @p0 .LBB2_1-.Ltmp3, $4  }
0xc9: {  	[hbm:s10], [sflag:s2] =	dma.local [spmem:s31], $0x2800  }
0xca: {  	_ =	swait.ge [sflag:s17], $0x2800  }
0xcb: {  	[sflag:s17] =	ssyncset.done $0x0  }
0xcc: {  	[sflag:s17] =	ssyncadd.s32 $0xFFFFD800  }
0xcd: {  	_ =	sfence.sel $0x180000  }
0xce: {  	[bflag:$0x0] =	sbarrier.arrive $0xFFFF  }
0xcf: {  	_ =	strace $0x9000004D  }
0xd0: {  	[bflag:$0x2] =	sbarrier.arrive $0xFFFF  }
0xd1: {  	p0 =	sne.s32 s0, $0x0;
	s0 =	rddreg [dreg:$0x3]  }
0xd2: {  	s0 =	sadd.s32 @!p0 $0x100000, s0  }
0xd3: {  	[sflag:s0] =	ssyncadd.tile.s32 @!p0 $0x1;
	_ =	shalt  }
.Lfunc_end2:
_tile_overlayer_lowered:
.L_overlay_start_2:
0xd4: {  	(tag) =	ssettag $0x2  }
0xd5: {  	s0 =	rddreg [dreg:$0x0];
	s2 =	stileid.u32  }
0xd6: {  	s1 =	rddreg [dreg:$0x1];
	p0 =	sne.s32 s2, $0x0  }
0xd7: {  	s3 =	rddreg [dreg:$0x2];
	[bflag:$0x3] =	sbarrier.arrive $0xFFFF;
	s2 =	simm.s32 @!p0 $0x1C03  }
0xd8: {  	[timem:s3], [sflag:s2] =	dma.local @!p0 [hbm:s0], s1  }
0xd9: {  	s0 =	simm.s32 @!p0 $0x3  }
0xda: {  	_ =	swait.ge @!p0 [sflag:s0], s1  }
0xdb: {  	s1 =	ssub.s32 @!p0 $0x0, s1;
	[sflag:s0] =	ssyncset.done @!p0 $0x0  }
0xdc: {  	[sflag:s0] =	ssyncadd.s32 @!p0 s1  }
0xdd: {  	[bflag:$0x3] =	sbarrier.arrive $0xFFFF  }
0xde: {  	_ =	shalt  }

// kernel: kernel.7.cloned.1.call-start
scs
__scs_entry_jumppad:
0x0: {  	(pc) =	sbr.rel $0x88, $3  }
0x1: {  	(tag) =	ssettag $0x0;
	lr =	simm.s32 $0x1  }
0x2: {  	[smem:$0x3F99] =	sst lr;
	_ =	strace $0xD0000000  }
0x3: {  	_ = 	snop  }
0x4: {  	_ = 	snop  }
0x5: {  	_ = 	snop  }
0x6: {  	_ = 	snop  }
0x7: {  	_ = 	snop  }
__scs_overlays_trampoline_lowered:
0x8: {  	[smem:$0x3FA8] =	sst s0  }
0x9: {  	[smem:$0x3FA9] =	sst s1  }
0xa: {  	[smem:$0x3FAA] =	sst s2  }
0xb: {  	[smem:$0x3FAB] =	sst s3  }
0xc: {  	[smem:$0x3FAC] =	sst s4  }
0xd: {  	[smem:$0x3FAD] =	sst s5  }
0xe: {  	[smem:$0x3FAE] =	sst s6  }
0xf: {  	[smem:$0x3FAF] =	sst s7  }
0x10: {  	[smem:$0x3FB0] =	sst s8  }
0x11: {  	[smem:$0x3FB1] =	sst s9;
	s0 =	simm.s32 @!p0 $0x0  }
0x12: {  	s1 =	sld [smem:$0x3F97];
	s0 =	simm.s32 @p0 $0x1  }
0x13: {  	[smem:$0x3FB2] =	sst s0;
	s0 =	simm.s32 @!p1 $0x0  }
0x14: {  	s2 =	sld [smem:$0x3F96];
	s0 =	simm.s32 @p1 $0x1  }
0x15: {  	[smem:$0x3FB3] =	sst s0;
	s0 =	simm.s32 @!p2 $0x0  }
0x16: {  	s3 =	sld [smem:$0x3FDB];
	s0 =	simm.s32 @p2 $0x1  }
0x17: {  	s4 =	simm.s32 $0x1BF5;
	[smem:$0x3FB5] =	sst s0  }
0x18: {  	s0 =	sld [smem:$0x3F98];
	_ =	swait.ge [sflag:s4], $0x0  }
0x19: {  	s7 =	sld [smem:$0x3F99]  }
0x1a: {  	s8 =	sadd.s32 $0xFFFFE003, lr  }
0x1b: {  	s9 =	sadd.s32 $0xFFFFFEF7, lr;
	s5 =	simm.s32 $0xFFFFFFFF;
	p2 =	slt.u32 s8, $0xFFFFF086  }
0x1c: {  	p1 =	slt.u32 s9, $0xF7A;
	s5 =	simm.s32 @!p2 $0x0  }
0x1d: {  	s5 =	simm.s32 @p1 $0x1;
	p0 =	seq.s32 s7, s2  }
0x1e: {  	s7 =	smul.u32 @!p0 $0xF7A, s2;
	p2 =	seq.s32 @!p0 s5, $0x0  }
0x1f: {  	s9 =	smul.u32 $0xF7A, s1;
	s8 =	simm.s32 @!p0 $0x1BF5;
	p2 =	por !p2, p0  }
0x20: {  	[sflag:s8] =	ssyncset.s32 @!p0 $0xFFFFF086;
	s6 =	sadd.s32 @!p0 s3, s7;
	s7 =	simm.s32 @!p0 $0x108  }
0x21: {  	s3 =	sadd.s32 s3, s9;
	s6 =	sadd.s32 @!p0 $0x88, s6;
	s7 =	simm.s32 @p2 $0x1082  }
0x22: {  	[simem:s7], [sflag:s8] =	dma.local @!p0 [hbm:s6], $0xF7A  }
0x23: {  	s9 =	sor.u32 $0xD0000000, s2;
	s6 =	simm.s32 $0x108;
	_ =	swait.ge @!p0 [sflag:s8], $0x0  }
0x24: {  	s3 =	sadd.s32 $0x88, s3;
	s6 =	simm.s32 @!p1 $0x1082;
	[sflag:s4] =	ssyncset.s32 $0xFFFFF086  }
0x25: {  	[simem:s6], [sflag:s4] =	dma.local [hbm:s3], $0xF7A  }
0x26: {  	[smem:$0x3F99] =	sst s1;
	(tag) =	ssettag s2;
	_ =	strace s9  }
0x27: {  	s1 =	sld [smem:$0x3FA9]  }
0x28: {  	s2 =	sld [smem:$0x3FAA]  }
0x29: {  	s4 =	sld [smem:$0x3FAC]  }
0x2a: {  	p0 =	seq.s32 s5, $0x0;
	s5 =	sld [smem:$0x3FAD]  }
0x2b: {  	s6 =	sld [smem:$0x3FAE]  }
0x2c: {  	s7 =	sld [smem:$0x3FAF]  }
0x2d: {  	s3 =	simm.s32 $0x108;
	s8 =	sld [smem:$0x3FB0]  }
0x2e: {  	s3 =	simm.s32 @!p0 $0x1082;
	s9 =	sld [smem:$0x3FB1]  }
0x2f: {  	lr =	sadd.s32 s0, s3;
	s0 =	sld [smem:$0x3FA8]  }
0x30: {  	s3 =	sld [smem:$0x3FAB]  }
0x31: {  	[smem:$0x3FB4] =	sst s10  }
0x32: {  	s10 =	sld [smem:$0x3FB2];
	_ =	sdelay $0x3  }
0x33: {  	p0 =	seq.s32 s10, $0x1;
	s10 =	sld [smem:$0x3FB4];
	_ =	sdelay $0x3  }
0x34: {  	[smem:$0x3FB4] =	sst s10  }
0x35: {  	s10 =	sld [smem:$0x3FB3];
	_ =	sdelay $0x3  }
0x36: {  	p1 =	seq.s32 s10, $0x1;
	s10 =	sld [smem:$0x3FB4];
	_ =	sdelay $0x3  }
0x37: {  	[smem:$0x3FB4] =	sst s10  }
0x38: {  	s10 =	sld [smem:$0x3FB5]  }
0x39: {  	_ = 	snop;
	(pc) =	sbr.ind lr, $3  }
0x3a: {  	_ = 	snop  }
0x3b: {  	_ = 	snop  }
0x3c: {  	p2 =	seq.s32 s10, $0x1;
	s10 =	sld [smem:$0x3FB4]  }
0x3d: {  	_ =	shalt  }
0x3e: {  	_ =	shalt  }
0x3f: {  	_ =	shalt  }
0x40: {  	_ =	shalt  }
0x41: {  	_ =	shalt  }
0x42: {  	_ =	shalt  }
0x43: {  	_ =	shalt  }
0x44: {  	_ =	shalt  }
0x45: {  	_ =	shalt  }
0x46: {  	_ =	shalt  }
0x47: {  	_ =	shalt  }
0x48: {  	_ =	shalt  }
0x49: {  	_ =	shalt  }
0x4a: {  	_ =	shalt  }
0x4b: {  	_ =	shalt  }
0x4c: {  	_ =	shalt  }
0x4d: {  	_ =	shalt  }
0x4e: {  	_ =	shalt  }
0x4f: {  	_ =	shalt  }
0x50: {  	_ =	shalt  }
0x51: {  	_ =	shalt  }
0x52: {  	_ =	shalt  }
0x53: {  	_ =	shalt  }
0x54: {  	_ =	shalt  }
0x55: {  	_ =	shalt  }
0x56: {  	_ =	shalt  }
0x57: {  	_ =	shalt  }
0x58: {  	_ =	shalt  }
0x59: {  	_ =	shalt  }
0x5a: {  	_ =	shalt  }
0x5b: {  	_ =	shalt  }
0x5c: {  	_ =	shalt  }
0x5d: {  	_ =	shalt  }
0x5e: {  	_ =	shalt  }
0x5f: {  	_ =	shalt  }
0x60: {  	_ =	shalt  }
0x61: {  	_ =	shalt  }
0x62: {  	_ =	shalt  }
0x63: {  	_ =	shalt  }
0x64: {  	_ =	shalt  }
0x65: {  	_ =	shalt  }
0x66: {  	_ =	shalt  }
0x67: {  	_ =	shalt  }
0x68: {  	_ =	shalt  }
0x69: {  	_ =	shalt  }
0x6a: {  	_ =	shalt  }
0x6b: {  	_ =	shalt  }
0x6c: {  	_ =	shalt  }
0x6d: {  	_ =	shalt  }
0x6e: {  	_ =	shalt  }
0x6f: {  	_ =	shalt  }
0x70: {  	_ =	shalt  }
0x71: {  	_ =	shalt  }
0x72: {  	_ =	shalt  }
0x73: {  	_ =	shalt  }
0x74: {  	_ =	shalt  }
0x75: {  	_ =	shalt  }
0x76: {  	_ =	shalt  }
0x77: {  	_ =	shalt  }
0x78: {  	_ =	shalt  }
0x79: {  	_ =	shalt  }
0x7a: {  	_ =	shalt  }
0x7b: {  	_ =	shalt  }
0x7c: {  	_ =	shalt  }
0x7d: {  	_ =	shalt  }
0x7e: {  	_ =	shalt  }
0x7f: {  	_ =	shalt  }
0x80: {  	_ =	shalt  }
0x81: {  	_ =	shalt  }
0x82: {  	_ =	shalt  }
0x83: {  	_ =	shalt  }
0x84: {  	_ =	shalt  }
0x85: {  	_ =	shalt  }
0x86: {  	_ =	shalt  }
0x87: {  	_ =	shalt  }
.Lfunc_end0:
.L_simem_size_0:
called_computation_lowered:
.L_overlay_start_0:
0x88: {  	s2 =	sld [smem:$0x3FD9]  }
0x89: {  	s3 =	sld [smem:$0x3FFE];
	_ =	sdelay $0x1  }
0x8a: {  	s1 =	srdreg.scid  }
0x8b: {  	s0 =	sand.u32 $0x1, s1  }
0x8c: {  	s17 =	sshll.u32 s0, $0xA;
	s2 =	sadd.s32 s3, s2  }
0x8d: {  	s2 =	sadd.s32 s2, s17  }
0x8e: {  	[smem:$0x3FC0] =	sst s2  }
0x8f: {  	_ = 	snop  }
0x90: {  	(tm) =	ssettm $0x1  }
0x91: {  	s18 =	sld [smem:$0x3FFB];
	_ =	sdelay $0x3  }
0x92: {  	_ =	strace s18  }
0x93: {  	s2 =	sld [smem:$0x3FFC];
	_ =	sdelay $0x3  }
0x94: {  	_ =	strace s2  }
0x95: {  	s2 =	sld [smem:$0x3FFD];
	_ =	sdelay $0x3  }
0x96: {  	_ =	strace s2  }
0x97: {  	_ =	strace $0x8FFFFFFF  }
0x98: {  	s19 =	sld [smem:$0x3FDB];
	_ =	sdelay $0x1  }
0x99: {  	s20 =	simm.s32 $_scs_section_size  }
0x9a: {  	s4 =	simm.s32 $_size__tile_overlayer_lowered;
	s5 =	simm.s32 $_tile_overlayer_lowered  }
0x9b: {  	s6 =	simm.s32 $0x1BFF;
	s21 =	sshll.u32 s5, $0x1;
	s3 =	sadd.s32 s20, s19  }
0x9c: {  	s22 =	simm.s32 $0x0;
	s4 =	sshll.u32 s4, $0x1;
	s5 =	sadd.s32 s21, s3  }
0x9d: {  	[timem:s22], [sflag:s6] =	dma.local [hbm:s5], s4  }
0x9e: {  	_ =	swait.ge [sflag:s6], s4  }
0x9f: {  	s4 =	ssub.s32 $0x0, s4;
	[sflag:s6] =	ssyncset.done $0x0  }
0xa0: {  	[sflag:s6] =	ssyncadd.s32 s4;
	_ =	sdelay $0x1  }
0xa1: {  	s23 =	simm.s32 $0x1B8B  }
0xa2: {  	_ =	swait.ge [sflag:s23], $0x1  }
0xa3: {  	[sflag:s23] =	ssyncset.done $0x0  }
0xa4: {  	[sflag:s23] =	ssyncadd.s32 $0xFFFFFFFF  }
0xa5: {  	s4 =	sld [smem:$0x0]  }
0xa6: {  	s5 =	sand.u32 $0xFFFFFFFE, s1  }
0xa7: {  	p0 =	sne.s32 s1, s5  }
0xa8: {  	s5 =	sshll.u32 @p0 s5, $0xE  }
0xa9: {  	s5 =	sadd.s32 @p0 $0x11B8D, s5;
	s6 =	sshll.u32 @p0 s4, $0x11  }
0xaa: {  	s5 =	sor.u32 @p0 s6, s5  }
0xab: {  	[sflag:s5] =	ssyncadd.remote.s32 @p0 $0x1;
	_ =	sdelay $0x1  }
0xac: {  	s5 =	simm.s32 @p0 $0x1B8D  }
0xad: {  	_ =	swait.eq @p0 [sflag:s5], $0x1  }
0xae: {  	[sflag:s5] =	ssyncadd.s32 @p0 $0xFFFFFFFF  }
0xaf: {  	s6 =	sshll.u32 @!p0 s1, $0xE  }
0xb0: {  	s6 =	sor.u32 @!p0 $0x4000, s6;
	s5 =	simm.s32 @!p0 $0x1B8D  }
0xb1: {  	s4 =	sshll.u32 @!p0 s4, $0x11;
	s6 =	sadd.s32 @!p0 $0x11B8D, s6;
	_ =	swait.eq @!p0 [sflag:s5], $0x1  }
0xb2: {  	s4 =	sor.u32 @!p0 s4, s6;
	[sflag:s5] =	ssyncadd.s32 @!p0 $0xFFFFFFFF  }
0xb3: {  	s25 =	simm.s32 $0x1B8E;
	s24 =	sld [smem:$0x3FFE];
	[sflag:s4] =	ssyncadd.remote.s32 @!p0 $0x1  }
0xb4: {  	s26 =	simm.s32 $execute0_lowered;
	[smem:$0x3FD2] =	sst s25  }
0xb5: {  	s5 =	sshll.u32 s26, $0x1;
	_ =	strace $0x80000049;
	[dreg:$0x1] =	wrdreg $0xFFFFFFFF  }
0xb6: {  	s28 =	simm.s32 $_size_execute0_lowered;
	s3 =	sadd.s32 s3, s5;
	[dreg:$0x0] =	wrdreg $0x0  }
0xb7: {  	s5 =	sshll.u32 s28, $0x1;
	[dreg:$0x2] =	wrdreg s3  }
0xb8: {  	[dreg:$0x3] =	wrdreg s5  }
0xb9: {  	[dreg:$0x4] =	wrdreg $0xC0  }
0xba: {  	_ =	task [dreg:s22], $0x5FFFF  }
0xbb: {  	[dreg:$0x1] =	wrdreg $0xFFFFFFFF  }
0xbc: {  	[dreg:$0x0] =	wrdreg $0x60  }
0xbd: {  	[dreg:$0x2] =	wrdreg s24  }
0xbe: {  	[dreg:$0x3] =	wrdreg $0x44000  }
0xbf: {  	[dreg:$0x4] =	wrdreg $0x9  }
0xc0: {  	_ =	task.clear_ibuf [dreg:s22], $0x5FFFF;
	_ =	strace $0x90000049  }
0xc1: {  	s29 =	simm.s32 $0x9;
	_ =	strace $0x8000004B  }
0xc2: {  	_ =	swait.ge [sflag:s29], $0x1  }
0xc3: {  	[sflag:s29] =	ssyncadd.s32 $0xFFFFFFFF  }
0xc4: {  	_ =	strace $0x9000004B  }
0xc5: {  	_ =	sfence  }
0xc6: {  	s30 =	sld [smem:$0x0];
	_ =	sdelay $0x2  }
0xc7: {  	s31 =	sshll.u32 s1, $0xD;
	s1 =	sshrl.u32 s1, $0x2  }
0xc8: {  	s4 =	sand.u32 $0x4000, s31;
	s1 =	sadd.s32 s1, s30  }
0xc9: {  	s0 =	sor.u32 s4, s0;
	s1 =	sshll.u32 s1, $0x11  }
0xca: {  	s0 =	sor.u32 s1, s0  }
0xcb: {  	s0 =	sadd.s32 $0x8F2B, s0  }
0xcc: {  	[sflag:s0] =	ssyncadd.remote.s32 $0x1  }
0xcd: {  	_ =	sfence.sel $0xFFFF  }
0xce: {  	[dreg:$0x0] =	wrdreg $0xFFFFFFFF;
	(pc) =	sbr.abs _section_cstart, $3  }
0xcf: {  	[dreg:$0x1] =	wrdreg $0xFFFFFFFF  }
0xd0: {  	_ =	task.clear_ibuf [dreg:s22], $0x2FFFF;
	_ =	strace $0x9FFFFFFF  }
0xd1: {  	(tm) =	ssettm $0x7FFFFFFF  }
tec
execute0_lowered:
.L_overlay_start_1:
0x0: {  	(tag) =	ssettag $0x1  }
0x1: {  	s4 =	rddreg [dreg:$0x0]  }
0x2: {  	s0 =	srdreg.scid;
	s2 =	rddreg [dreg:$0x1]  }
0x3: {  	s1 =	rddreg [dreg:$0x2];
	s3 =	simm.s32 $0x0;
	s12 =	simm.s32 $0x400  }
0x4: {  	s13 =	simm.s32 $0x1;
	s14 =	simm.s32 $0x80;
	s5 =	sand.u32 $0x1, s0  }
0x5: {  	s15 =	simm.s32 $0x100;
	s0 =	stileid.u32;
	s6 =	smul.u32 $0x14000, s5  }
0x6: {  	s16 =	simm.s32 $0x180;
	s17 =	simm.s32 $0x200;
	s7 =	smul.u32 $0x1400, s0  }
0x7: {  	s18 =	simm.s32 $0x280;
	s19 =	simm.s32 $0x300;
	s8 =	smul.u32 $0x140000, s5  }
0x8: {  	s20 =	simm.s32 $0x380;
	s21 =	simm.s32 $0x0;
	s26 =	smul.u32 $0x14000, s0  }
0x9: {  	[smem:$0x7FF] =	sst s3;
	s9 =	smul.u32 $0x50000, s0;
	s5 =	ssub.s32 $0x2, s5  }
0xa: {  	_ =	strace $0x8000004A;
	s31 =	sshrl.u32 s5, $0x1;
	s6 =	sadd.s32 s7, s6  }
0xb: {  	s28 =	sadd.s32 s26, s8;
	s29 =	sshrl.u32 s9, $0x2;
	s6 =	sshrl.u32 s6, $0x3  }
0xc: {  	s10 =	ssub.s32 s5, s31;
	s11 =	sadd.s32 s6, s4;
	s6 =	sshrl.u32 s28, $0x3  }
0xd: {  	s10 =	smax.u32 s10, $0x1;
	s30 =	sadd.s32 s6, s4;
	s4 =	sadd.s32 s29, s2  }
0xe: {  	s11 =	sadd.s32 $0x3000, s11;
	s5 =	sadd.s32 $0x4000, s4;
	s6 =	sadd.s32 $0x8000, s4  }
0xf: {  	v0 =	vimm.f32 $0.0e+00;
	v1 =	vimm.f32 $1.000000000e+00;
	s7 =	sadd.s32 $0xC000, s4;
	s8 =	sadd.s32 $0x10000, s4;
	s9 =	sadd.s32 $0x62000, s30  }
.LBB2_1:
0x10: {  	s22 =	simm.s32 $0x0  }
0x11: {  	s23 =	sand.u32 $0xFFFFFF80, s22  }
0x12: {  	s23 =	ssub.s32 $0x0, s23  }
0x13: {  	s22 =	sand.u32 $0x3FFFFF80, s22;
	s23 =	sand.u32 $0xFFFFFF80, s23  }
0x14: {  	s24 =	sand.u32 $0x70, s3;
	s23 =	sadd.s32 s23, s22  }
0x15: {  	s22 =	simm.s32 $0x1;
	s24 =	sor.u32 s24, s23;
	s23 =	simm.s32 $0x0  }
.LBB2_2:
0x16: {  	s25 =	sshll.u32 s22, $0x4;
	p0 =	sne.s32 s22, $0x3FF;
	s22 =	sadd.s32 $0x1, s22;
	[tilespmem:s24+$0x400] =	vst v0  }
.Ltmp0:
0x17: {  	s23 =	sadd.s32 $0x10, s23;
	s24 =	sand.u32 $0xFFFFFF80, s25;
	(pc) =	sbr.rel @p0 .LBB2_2-.Ltmp0, $4  }
0x18: {  	s24 =	ssub.s32 s23, s24  }
0x19: {  	s25 =	sand.u32 $0x3FFFFF80, s25;
	s24 =	sand.u32 $0xFFFFFF80, s24  }
0x1a: {  	s26 =	sand.u32 $0x70, s23;
	s24 =	sadd.s32 s24, s25  }
0x1b: {  	s24 =	sor.u32 s26, s24  }
0x1c: {  	[tilespmem:s24+$0x400] =	vst v0  }
0x1d: {  	[spmem:s4] =	stream.linear.scatter [tilespmem:s12], [sflag:$0x1], $0x4000, $0x38;
	[tilespmem:$0x18400] =	vst v63  }
0x1e: {  	_ =	swait.ge [sflag:s13], $0x4000  }
0x1f: {  	[sflag:s13] =	ssyncset.done $0x0  }
0x20: {  	[sflag:s13] =	ssyncadd.s32 $0xFFFFC000  }
0x21: {  	[spmem:s5] =	stream.linear.scatter [tilespmem:s12], [sflag:$0x1], $0x4000, $0x38;
	[tilespmem:$0x18400] =	vst v63  }
0x22: {  	_ =	swait.ge [sflag:s13], $0x4000  }
0x23: {  	[sflag:s13] =	ssyncset.done $0x0  }
0x24: {  	[sflag:s13] =	ssyncadd.s32 $0xFFFFC000  }
0x25: {  	[spmem:s6] =	stream.linear.scatter [tilespmem:s12], [sflag:$0x1], $0x4000, $0x38;
	[tilespmem:$0x18400] =	vst v63  }
0x26: {  	_ =	swait.ge [sflag:s13], $0x4000  }
0x27: {  	[sflag:s13] =	ssyncset.done $0x0  }
0x28: {  	[sflag:s13] =	ssyncadd.s32 $0xFFFFC000  }
0x29: {  	[spmem:s7] =	stream.linear.scatter [tilespmem:s12], [sflag:$0x1], $0x4000, $0x38;
	[tilespmem:$0x18400] =	vst v63  }
0x2a: {  	s23 =	simm.s32 $0x0;
	_ =	swait.ge [sflag:s13], $0x4000  }
0x2b: {  	s22 =	sand.u32 $0xFFFFFF80, s23;
	[sflag:s13] =	ssyncset.done $0x0  }
0x2c: {  	s23 =	sand.u32 $0x3FFFFF80, s23;
	s31 =	ssub.s32 $0x0, s22;
	[sflag:s13] =	ssyncadd.s32 $0xFFFFC000  }
0x2d: {  	[spmem:s8] =	stream.linear.scatter [tilespmem:s12], [sflag:$0x1], $0x4000, $0x38;
	[tilespmem:$0x18400] =	vst v63  }
0x2e: {  	s22 =	simm.s32 $0x0;
	s24 =	sand.u32 $0xFFFFFF80, s31;
	_ =	swait.ge [sflag:s13], $0x4000  }
0x2f: {  	s25 =	sand.u32 $0x70, s22;
	s24 =	sadd.s32 s24, s23;
	[sflag:s13] =	ssyncset.done $0x0  }
0x30: {  	s23 =	simm.s32 $0x1;
	s24 =	sor.u32 s25, s24;
	[sflag:s13] =	ssyncadd.s32 $0xFFFFC000  }
.LBB2_4:
0x31: {  	s25 =	sshll.u32 s23, $0x4;
	p0 =	sne.s32 s23, $0x3FF;
	s23 =	sadd.s32 $0x1, s23;
	[tilespmem:s24+$0x400] =	vst v1  }
.Ltmp1:
0x32: {  	s22 =	sadd.s32 $0x10, s22;
	s24 =	sand.u32 $0xFFFFFF80, s25;
	(pc) =	sbr.rel @p0 .LBB2_4-.Ltmp1, $4  }
0x33: {  	s24 =	ssub.s32 s22, s24  }
0x34: {  	s25 =	sand.u32 $0x3FFFFF80, s25;
	s24 =	sand.u32 $0xFFFFFF80, s24  }
0x35: {  	s26 =	sand.u32 $0x70, s22;
	s24 =	sadd.s32 s24, s25  }
0x36: {  	s24 =	sor.u32 s26, s24  }
0x37: {  	[tilespmem:s24+$0x400] =	vst v1  }
0x38: {  	s22 =	sadd.s32 $0x0, s11;
	[bflag:$0x0] =	sbarrier.arrive $0xFFFF  }
0x39: {  	[tilespmem:s3], [sflag:$0x1] =	stream.linear.gather [hbm4b:s22+s3], $0x400, $0x38;
	[tilespmem:$0x18400] =	vst v63  }
0x3a: {  	_ =	swait.ge [sflag:s13], $0x400  }
0x3b: {  	[sflag:s13] =	ssyncset.done $0x0  }
0x3c: {  	[sflag:s13] =	ssyncadd.s32 $0xFFFFFC00  }
0x3d: {  	[spmem:s2] =	stream.indirect.scatter.add.f32 [tilespmem:s12], [sflag:$0x1], $0x80, s3, s14, $0xb8;
	[tilespmem:$0x18400] =	vst v63  }
0x3e: {  	_ =	swait.ge [sflag:s13], $0x4000  }
0x3f: {  	[sflag:s13] =	ssyncset.done $0x0  }
0x40: {  	[sflag:s13] =	ssyncadd.s32 $0xFFFFC000  }
0x41: {  	[spmem:s2] =	stream.indirect.scatter.add.f32 [tilespmem:s12], [sflag:$0x1], $0x80, s14, s14, $0xb8;
	[tilespmem:$0x18400] =	vst v63  }
0x42: {  	_ =	swait.ge [sflag:s13], $0x4000  }
0x43: {  	[sflag:s13] =	ssyncset.done $0x0  }
0x44: {  	[sflag:s13] =	ssyncadd.s32 $0xFFFFC000  }
0x45: {  	[spmem:s2] =	stream.indirect.scatter.add.f32 [tilespmem:s12], [sflag:$0x1], $0x80, s15, s14, $0xb8;
	[tilespmem:$0x18400] =	vst v63  }
0x46: {  	_ =	swait.ge [sflag:s13], $0x4000  }
0x47: {  	[sflag:s13] =	ssyncset.done $0x0  }
0x48: {  	[sflag:s13] =	ssyncadd.s32 $0xFFFFC000  }
0x49: {  	[spmem:s2] =	stream.indirect.scatter.add.f32 [tilespmem:s12], [sflag:$0x1], $0x80, s16, s14, $0xb8;
	[tilespmem:$0x18400] =	vst v63  }
0x4a: {  	_ =	swait.ge [sflag:s13], $0x4000  }
0x4b: {  	[sflag:s13] =	ssyncset.done $0x0  }
0x4c: {  	[sflag:s13] =	ssyncadd.s32 $0xFFFFC000  }
0x4d: {  	[spmem:s2] =	stream.indirect.scatter.add.f32 [tilespmem:s12], [sflag:$0x1], $0x80, s17, s14, $0xb8;
	[tilespmem:$0x18400] =	vst v63  }
0x4e: {  	_ =	swait.ge [sflag:s13], $0x4000  }
0x4f: {  	[sflag:s13] =	ssyncset.done $0x0  }
0x50: {  	[sflag:s13] =	ssyncadd.s32 $0xFFFFC000  }
0x51: {  	[spmem:s2] =	stream.indirect.scatter.add.f32 [tilespmem:s12], [sflag:$0x1], $0x80, s18, s14, $0xb8;
	[tilespmem:$0x18400] =	vst v63  }
0x52: {  	_ =	swait.ge [sflag:s13], $0x4000  }
0x53: {  	[sflag:s13] =	ssyncset.done $0x0  }
0x54: {  	[sflag:s13] =	ssyncadd.s32 $0xFFFFC000  }
0x55: {  	[spmem:s2] =	stream.indirect.scatter.add.f32 [tilespmem:s12], [sflag:$0x1], $0x80, s19, s14, $0xb8;
	[tilespmem:$0x18400] =	vst v63  }
0x56: {  	_ =	swait.ge [sflag:s13], $0x4000  }
0x57: {  	[sflag:s13] =	ssyncset.done $0x0  }
0x58: {  	[sflag:s13] =	ssyncadd.s32 $0xFFFFC000  }
0x59: {  	[spmem:s2] =	stream.indirect.scatter.add.f32 [tilespmem:s12], [sflag:$0x1], $0x80, s20, s14, $0xb8;
	[tilespmem:$0x18400] =	vst v63  }
0x5a: {  	_ =	swait.ge [sflag:s13], $0x4000  }
0x5b: {  	s24 =	simm.s32 $0x100;
	s22 =	simm.s32 $0x80;
	[sflag:s13] =	ssyncset.done $0x0  }
.LBB2_6:
0x5c: {  	s25 =	sadd.s32 s22, s11  }
0x5d: {  	[sflag:s13] =	ssyncadd.s32 $0xFFFFC000;
	s22 =	smov.u32 s24;
	s23 =	sadd.s32 $0x80, s24  }
0x5e: {  	[tilespmem:s3], [sflag:$0x1] =	stream.linear.gather [hbm4b:s25+s3], $0x400, $0x38;
	[tilespmem:$0x18400] =	vst v63  }
0x5f: {  	p0 =	sne.s32 s24, $0x200;
	_ =	swait.ge [sflag:s13], $0x400  }
0x60: {  	[sflag:s13] =	ssyncset.done $0x0  }
0x61: {  	[sflag:s13] =	ssyncadd.s32 $0xFFFFFC00  }
0x62: {  	[spmem:s2] =	stream.indirect.scatter.add.f32 [tilespmem:s12], [sflag:$0x1], $0x80, s3, s14, $0xb8;
	[tilespmem:$0x18400] =	vst v63  }
0x63: {  	_ =	swait.ge [sflag:s13], $0x4000  }
0x64: {  	[sflag:s13] =	ssyncset.done $0x0  }
0x65: {  	[sflag:s13] =	ssyncadd.s32 $0xFFFFC000  }
0x66: {  	[spmem:s2] =	stream.indirect.scatter.add.f32 [tilespmem:s12], [sflag:$0x1], $0x80, s14, s14, $0xb8;
	[tilespmem:$0x18400] =	vst v63  }
0x67: {  	_ =	swait.ge [sflag:s13], $0x4000  }
0x68: {  	[sflag:s13] =	ssyncset.done $0x0  }
0x69: {  	[sflag:s13] =	ssyncadd.s32 $0xFFFFC000  }
0x6a: {  	[spmem:s2] =	stream.indirect.scatter.add.f32 [tilespmem:s12], [sflag:$0x1], $0x80, s15, s14, $0xb8;
	[tilespmem:$0x18400] =	vst v63  }
0x6b: {  	_ =	swait.ge [sflag:s13], $0x4000  }
0x6c: {  	[sflag:s13] =	ssyncset.done $0x0  }
0x6d: {  	[sflag:s13] =	ssyncadd.s32 $0xFFFFC000  }
0x6e: {  	[spmem:s2] =	stream.indirect.scatter.add.f32 [tilespmem:s12], [sflag:$0x1], $0x80, s16, s14, $0xb8;
	[tilespmem:$0x18400] =	vst v63  }
0x6f: {  	_ =	swait.ge [sflag:s13], $0x4000  }
0x70: {  	[sflag:s13] =	ssyncset.done $0x0  }
0x71: {  	[sflag:s13] =	ssyncadd.s32 $0xFFFFC000  }
0x72: {  	[spmem:s2] =	stream.indirect.scatter.add.f32 [tilespmem:s12], [sflag:$0x1], $0x80, s17, s14, $0xb8;
	[tilespmem:$0x18400] =	vst v63  }
0x73: {  	_ =	swait.ge [sflag:s13], $0x4000  }
0x74: {  	[sflag:s13] =	ssyncset.done $0x0  }
0x75: {  	[sflag:s13] =	ssyncadd.s32 $0xFFFFC000  }
0x76: {  	[spmem:s2] =	stream.indirect.scatter.add.f32 [tilespmem:s12], [sflag:$0x1], $0x80, s18, s14, $0xb8;
	[tilespmem:$0x18400] =	vst v63  }
0x77: {  	_ =	swait.ge [sflag:s13], $0x4000  }
0x78: {  	[sflag:s13] =	ssyncset.done $0x0  }
0x79: {  	[sflag:s13] =	ssyncadd.s32 $0xFFFFC000  }
0x7a: {  	[spmem:s2] =	stream.indirect.scatter.add.f32 [tilespmem:s12], [sflag:$0x1], $0x80, s19, s14, $0xb8;
	[tilespmem:$0x18400] =	vst v63  }
0x7b: {  	_ =	swait.ge [sflag:s13], $0x4000  }
.Ltmp2:
0x7c: {  	[sflag:s13] =	ssyncset.done $0x0;
	(pc) =	sbr.rel @p0 .LBB2_6-.Ltmp2, $4  }
0x7d: {  	[sflag:s13] =	ssyncadd.s32 $0xFFFFC000  }
0x7e: {  	[spmem:s2] =	stream.indirect.scatter.add.f32 [tilespmem:s12], [sflag:$0x1], $0x80, s20, s14, $0xb8;
	[tilespmem:$0x18400] =	vst v63  }
0x7f: {  	_ =	swait.ge [sflag:s13], $0x4000  }
0x80: {  	s24 =	smov.u32 s23;
	[sflag:s13] =	ssyncset.done $0x0  }
0x81: {  	s22 =	sadd.s32 s22, s11;
	[sflag:s13] =	ssyncadd.s32 $0xFFFFC000  }
0x82: {  	[tilespmem:s3], [sflag:$0x1] =	stream.linear.gather [hbm4b:s22+s3], $0x400, $0x38;
	[tilespmem:$0x18400] =	vst v63  }
0x83: {  	_ =	swait.ge [sflag:s13], $0x400  }
0x84: {  	[sflag:s13] =	ssyncset.done $0x0  }
0x85: {  	[sflag:s13] =	ssyncadd.s32 $0xFFFFFC00  }
0x86: {  	[spmem:s2] =	stream.indirect.scatter.add.f32 [tilespmem:s12], [sflag:$0x1], $0x80, s3, s14, $0xb8;
	[tilespmem:$0x18400] =	vst v63  }
0x87: {  	_ =	swait.ge [sflag:s13], $0x4000  }
0x88: {  	[sflag:s13] =	ssyncset.done $0x0  }
0x89: {  	[sflag:s13] =	ssyncadd.s32 $0xFFFFC000  }
0x8a: {  	[spmem:s2] =	stream.indirect.scatter.add.f32 [tilespmem:s12], [sflag:$0x1], $0x80, s14, s14, $0xb8;
	[tilespmem:$0x18400] =	vst v63  }
0x8b: {  	_ =	swait.ge [sflag:s13], $0x4000  }
0x8c: {  	[sflag:s13] =	ssyncset.done $0x0  }
0x8d: {  	[sflag:s13] =	ssyncadd.s32 $0xFFFFC000  }
0x8e: {  	[spmem:s2] =	stream.indirect.scatter.add.f32 [tilespmem:s12], [sflag:$0x1], $0x80, s15, s14, $0xb8;
	[tilespmem:$0x18400] =	vst v63  }
0x8f: {  	_ =	swait.ge [sflag:s13], $0x4000  }
0x90: {  	[sflag:s13] =	ssyncset.done $0x0  }
0x91: {  	[sflag:s13] =	ssyncadd.s32 $0xFFFFC000  }
0x92: {  	[spmem:s2] =	stream.indirect.scatter.add.f32 [tilespmem:s12], [sflag:$0x1], $0x80, s16, s14, $0xb8;
	[tilespmem:$0x18400] =	vst v63  }
0x93: {  	_ =	swait.ge [sflag:s13], $0x4000  }
0x94: {  	[sflag:s13] =	ssyncset.done $0x0  }
0x95: {  	[sflag:s13] =	ssyncadd.s32 $0xFFFFC000  }
0x96: {  	[spmem:s2] =	stream.indirect.scatter.add.f32 [tilespmem:s12], [sflag:$0x1], $0x80, s17, s14, $0xb8;
	[tilespmem:$0x18400] =	vst v63  }
0x97: {  	_ =	swait.ge [sflag:s13], $0x4000  }
0x98: {  	[sflag:s13] =	ssyncset.done $0x0  }
0x99: {  	[sflag:s13] =	ssyncadd.s32 $0xFFFFC000  }
0x9a: {  	[spmem:s2] =	stream.indirect.scatter.add.f32 [tilespmem:s12], [sflag:$0x1], $0x80, s18, s14, $0xb8;
	[tilespmem:$0x18400] =	vst v63  }
0x9b: {  	_ =	swait.ge [sflag:s13], $0x4000  }
0x9c: {  	[sflag:s13] =	ssyncset.done $0x0  }
0x9d: {  	[sflag:s13] =	ssyncadd.s32 $0xFFFFC000  }
0x9e: {  	[spmem:s2] =	stream.indirect.scatter.add.f32 [tilespmem:s12], [sflag:$0x1], $0x80, s19, s14, $0xb8;
	[tilespmem:$0x18400] =	vst v63  }
0x9f: {  	_ =	swait.ge [sflag:s13], $0x4000  }
0xa0: {  	[sflag:s13] =	ssyncset.done $0x0  }
0xa1: {  	[sflag:s13] =	ssyncadd.s32 $0xFFFFC000  }
0xa2: {  	[spmem:s2] =	stream.indirect.scatter.add.f32 [tilespmem:s12], [sflag:$0x1], $0x80, s20, s14, $0xb8;
	[tilespmem:$0x18400] =	vst v63  }
0xa3: {  	_ =	swait.ge [sflag:s13], $0x4000  }
0xa4: {  	s31 =	sshll.u32 s0, $0x6;
	s21 =	sadd.s32 $0x1, s21;
	[sflag:s13] =	ssyncset.done $0x0  }
0xa5: {  	s23 =	sshrl.u32 s4, $0x3;
	p0 =	sne.s32 s21, s10;
	[sflag:s13] =	ssyncadd.s32 $0xFFFFC000  }
.Ltmp3:
0xa6: {  	s22 =	sor.u32 $0x1C01, s31;
	[bflag:$0x0] =	sbarrier.arrive $0xFFFF;
	(pc) =	sbr.rel @p0 .LBB2_1-.Ltmp3, $4  }
0xa7: {  	[hbm:s9], [sflag:s22] =	dma.local [spmem:s23], $0x2800  }
0xa8: {  	_ =	swait.ge [sflag:s13], $0x2800  }
0xa9: {  	[sflag:s13] =	ssyncset.done $0x0  }
0xaa: {  	[sflag:s13] =	ssyncadd.s32 $0xFFFFD800  }
0xab: {  	_ =	sfence.sel $0x180000  }
0xac: {  	[bflag:$0x0] =	sbarrier.arrive $0xFFFF  }
0xad: {  	p0 =	sne.s32 s0, $0x0;
	_ =	strace $0x9000004A  }
0xae: {  	s0 =	sadd.s32 @!p0 $0x100000, s1;
	[bflag:$0x2] =	sbarrier.arrive $0xFFFF  }
0xaf: {  	[sflag:s0] =	ssyncadd.tile.s32 @!p0 $0x1;
	_ =	shalt  }
.Lfunc_end2:
_tile_overlayer_lowered:
.L_overlay_start_2:
0xb0: {  	(tag) =	ssettag $0x2  }
0xb1: {  	s0 =	rddreg [dreg:$0x0];
	s2 =	stileid.u32  }
0xb2: {  	s1 =	rddreg [dreg:$0x1];
	p0 =	sne.s32 s2, $0x0  }
0xb3: {  	s3 =	rddreg [dreg:$0x2];
	[bflag:$0x3] =	sbarrier.arrive $0xFFFF;
	s2 =	simm.s32 @!p0 $0x1C01  }
0xb4: {  	[timem:s3], [sflag:s2] =	dma.local @!p0 [hbm:s0], s1  }
0xb5: {  	s0 =	simm.s32 @!p0 $0x1  }
0xb6: {  	_ =	swait.ge @!p0 [sflag:s0], s1  }
0xb7: {  	s1 =	ssub.s32 @!p0 $0x0, s1;
	[sflag:s0] =	ssyncset.done @!p0 $0x0  }
0xb8: {  	[sflag:s0] =	ssyncadd.s32 @!p0 s1  }
0xb9: {  	[bflag:$0x3] =	sbarrier.arrive $0xFFFF  }
0xba: {  	_ =	shalt  }

</sc_bundles>
